<compile_context>
chip_gen: v7x
topology: tpu7x:2x2x1
jax: 0.10.2.dev20260603
libtpu: 0.0.44.dev20260713+nightly
codegen_flags: <defaults>
</compile_context>

<pallas_src>
import functools

import jax
import jax.numpy as jnp
from jax import lax
from jax.experimental import pallas as pl
from jax.experimental.pallas import tpu as pltpu
from jax.experimental.pallas import tpu_sc as plsc

NC = 2
NS = 16
NW = NC * NS
XB = 8192
QB = XB // 4


def _xpose_body(inT_ref, out_ref):
    x = inT_ref[...]
    r = lax.bitcast_convert_type(x, jnp.uint32)
    r = (r + jnp.uint32(0x8000)) & jnp.uint32(0xFFFF0000)
    p = r[:32, :] | (r[32:, :] >> 16)
    pf = lax.bitcast_convert_type(p, jnp.float32)
    parts = [jnp.swapaxes(pf[:, q * QB:(q + 1) * QB], 0, 1)
             for q in range(4)]
    y = jnp.concatenate(parts, axis=1)
    out_ref[...] = y.reshape(QB * 128)


@functools.cache
def _make_tc_xpose(V, D):
    grid = (V + XB - 1) // XB
    return pl.pallas_call(
        _xpose_body,
        grid=(grid,),
        in_specs=[pl.BlockSpec((D, XB), lambda i: (0, i))],
        out_specs=pl.BlockSpec((QB * 128,), lambda i: (i,)),
        out_shape=jax.ShapeDtypeStruct((grid * QB * 128,), jnp.float32),
    )


@functools.cache
def _make_sc_gather(B, M):
    BPW = B // NW
    mesh = plsc.VectorSubcoreMesh(core_axis_name="c", subcore_axis_name="s")

    @functools.partial(
        pl.kernel,
        mesh=mesh,
        compiler_params=pltpu.CompilerParams(use_tc_tiling_on_sc=False),
        out_type=(
            jax.ShapeDtypeStruct((B * 32,), jnp.float32),
            jax.ShapeDtypeStruct((B * 32,), jnp.float32),
        ),
        scratch_types=[
            pltpu.VMEM((BPW,), jnp.int32),
            pltpu.VMEM((BPW,), jnp.int32),
            pltpu.VMEM((BPW * 32,), jnp.float32),
            pltpu.VMEM((BPW * 32,), jnp.float32),
            pltpu.SemaphoreType.DMA,
            pltpu.SemaphoreType.DMA,
        ],
    )
    def sc_gather(woffu_hbm, woffi_hbm, utab_hbm, itab_hbm, ue_hbm, ie_hbm,
                  uoff_v, ioff_v, ubuf_v, ibuf_v, sem_u, sem_i):
        wid = lax.axis_index("s") * NC + lax.axis_index("c")
        base = wid * BPW
        pltpu.sync_copy(woffu_hbm.at[pl.ds(base, BPW)], uoff_v)
        pltpu.sync_copy(woffi_hbm.at[pl.ds(base, BPW)], ioff_v)

        def body_u(c, carry):
            s0 = c * 16
            uvec = uoff_v[pl.ds(s0, 16)]
            for j in range(16):
                off = pl.multiple_of(uvec[j], 32)
                pltpu.async_copy(utab_hbm.at[pl.ds(off, 32)],
                                 ubuf_v.at[pl.ds((s0 + j) * 32, 32)], sem_u)
            return carry

        def body_i(c, carry):
            s0 = c * 16
            ivec = ioff_v[pl.ds(s0, 16)]
            for j in range(16):
                off = pl.multiple_of(ivec[j], 32)
                pltpu.async_copy(itab_hbm.at[pl.ds(off, 32)],
                                 ibuf_v.at[pl.ds((s0 + j) * 32, 32)], sem_i)
            return carry

        lax.fori_loop(0, BPW // 16, body_u, 0)
        lax.fori_loop(0, BPW // 16, body_i, 0)
        pltpu.make_async_copy(utab_hbm.at[pl.ds(0, BPW * 32)], ubuf_v,
                              sem_u).wait()
        pltpu.make_async_copy(itab_hbm.at[pl.ds(0, BPW * 32)], ibuf_v,
                              sem_i).wait()
        pltpu.sync_copy(ubuf_v, ue_hbm.at[pl.ds(base * 32, BPW * 32)])
        pltpu.sync_copy(ibuf_v, ie_hbm.at[pl.ds(base * 32, BPW * 32)])

    return sc_gather


def _unpack_bf16(w32):
    r = lax.bitcast_convert_type(w32, jnp.uint32)
    hi = lax.bitcast_convert_type(r & jnp.uint32(0xFFFF0000), jnp.float32)
    lo = lax.bitcast_convert_type(r << 16, jnp.float32)
    return jnp.concatenate([hi, lo], axis=1)


def _dense_body(uew_ref, iew_ref, uf_ref, wuf_ref, buf_ref, wt_ref, bt_ref,
                out_ref, *, DU):
    ue = _unpack_bf16(uew_ref[...])
    ie = _unpack_bf16(iew_ref[...])
    uft = jnp.dot(uf_ref[...], wuf_ref[...],
                  preferred_element_type=jnp.float32) + buf_ref[...]
    wt = wt_ref[...]
    acc = jnp.dot(ue, wt[0:DU], preferred_element_type=jnp.float32)
    acc = acc + jnp.dot(uft, wt[DU:2 * DU], preferred_element_type=jnp.float32)
    acc = acc + jnp.dot(ie, wt[2 * DU:], preferred_element_type=jnp.float32)
    out_ref[...] = acc + bt_ref[...]


@functools.cache
def _make_tc_dense(B, DU, DI, IU, T, BLK=2048):
    grid = B // BLK
    return pl.pallas_call(
        functools.partial(_dense_body, DU=DU),
        grid=(grid,),
        in_specs=[
            pl.BlockSpec((BLK, 32), lambda i: (i, 0)),
            pl.BlockSpec((BLK, 32), lambda i: (i, 0)),
            pl.BlockSpec((BLK, IU), lambda i: (i, 0)),
            pl.BlockSpec((IU, DU), lambda i: (0, 0)),
            pl.BlockSpec((1, DU), lambda i: (0, 0)),
            pl.BlockSpec((2 * DU + DI, T), lambda i: (0, 0)),
            pl.BlockSpec((1, T), lambda i: (0, 0)),
        ],
        out_specs=pl.BlockSpec((BLK, T), lambda i: (i, 0)),
        out_shape=jax.ShapeDtypeStruct((B, T), jnp.float32),
    )


def _word_offsets(idx):
    step = idx // XB
    q = (idx // QB) & 3
    j = idx & (QB - 1)
    return (step * QB + j) * 128 + q * 32


def kernel(user_id, user_features, item_id, user_table, item_table,
           W_uf, b_uf, W_task, b_task):
    B = user_id.shape[0]
    VU, DU = user_table.shape
    VI, DI = item_table.shape
    IU = user_features.shape[1]
    T = W_task.shape[1]
    uid = user_id.astype(jnp.int32)
    iid = item_id.astype(jnp.int32)
    upk = _make_tc_xpose(VU, DU)(user_table.T)
    ipk = _make_tc_xpose(VI, DI)(item_table.T)
    uew, iew = _make_sc_gather(B, upk.shape[0])(
        _word_offsets(uid), _word_offsets(iid), upk, ipk)
    return _make_tc_dense(B, DU, DI, IU, T)(
        uew.reshape(B, 32), iew.reshape(B, 32), user_features, W_uf,
        b_uf.reshape(1, DU), W_task, b_task.reshape(1, T))

# --- scband reference (transcript-rebuilt; emitter-appended) ---
"""Pipeline reference for scband-multi-task-estimator-17171279249811 (READ-ONLY COPY).

The authoritative reference and input builder live on the scoring server;
editing this copy changes nothing except your own understanding.
"""

import jax, jax.numpy as jnp
import numpy as np

USER_VOCAB = 1000000
ITEM_VOCAB = 1000000
DU = 64
DI = 64
IU = 128
T = 3
B = 16384


def setup_inputs(seed: int = 0) -> dict:
    key = jax.random.key(seed)
    k1, k2, k3, k4, k5, k6, k7, k8, k9 = jax.random.split(key, 9)
    user_id = jax.random.randint(k1, (B,), 0, USER_VOCAB, dtype=jnp.int64 if jax.config.jax_enable_x64 else jnp.int32)
    item_id = jax.random.randint(k2, (B,), 0, ITEM_VOCAB, dtype=jnp.int64 if jax.config.jax_enable_x64 else jnp.int32)
    user_features = jax.random.normal(k3, (B, IU), dtype=jnp.float32)
    user_table = jax.random.normal(k4, (USER_VOCAB, DU), dtype=jnp.float32) * 0.02
    item_table = jax.random.normal(k5, (ITEM_VOCAB, DI), dtype=jnp.float32) * 0.02
    W_uf = jax.random.normal(k6, (IU, DU), dtype=jnp.float32) * (1.0 / np.sqrt(IU))
    b_uf = jnp.zeros((DU,), dtype=jnp.float32)
    W_task = jax.random.normal(k7, (2 * DU + DI, T), dtype=jnp.float32) * (1.0 / np.sqrt(2 * DU + DI))
    b_task = jnp.zeros((T,), dtype=jnp.float32)
    return {
        "user_id": user_id,
        "user_features": user_features,
        "item_id": item_id,
        "user_table": user_table,
        "item_table": item_table,
        "W_uf": W_uf,
        "b_uf": b_uf,
        "W_task": W_task,
        "b_task": b_task,
    }


def reference(user_id, user_features, item_id, user_table, item_table, W_uf, b_uf, W_task, b_task):
    # embedding lookups (gather)
    user_embedding = jnp.take(user_table, user_id, axis=0)
    item_embedding = jnp.take(item_table, item_id, axis=0)
    # dense transform of user features
    user_features_transformed = user_features @ W_uf + b_uf
    # concat and task head
    combined_features = jnp.concatenate([user_embedding, user_features_transformed, item_embedding], axis=1)
    task_logits = combined_features @ W_task + b_task
    return task_logits

if __name__ == "__main__":
    import jax
    _d = setup_inputs()
    print(jax.jit(kernel)(*tuple(_d.values())))

</pallas_src>

<mosaic_0001>
#map = affine_map<(d0, d1) -> (0)>
module attributes {stable_mosaic.version = 14 : i64} {
  func.func @sc_gather(%arg0: i32, %arg1: i32, %arg2: memref<16384xi32, #tpu.memory_space<hbm>>, %arg3: memref<16384xi32, #tpu.memory_space<hbm>>, %arg4: memref<32243712xf32, #tpu.memory_space<hbm>>, %arg5: memref<32243712xf32, #tpu.memory_space<hbm>>, %arg6: memref<524288xf32, #tpu.memory_space<hbm>>, %arg7: memref<524288xf32, #tpu.memory_space<hbm>>, %arg8: memref<512xi32, #tpu.memory_space<vmem>>, %arg9: memref<512xi32, #tpu.memory_space<vmem>>, %arg10: memref<16384xf32, #tpu.memory_space<vmem>>, %arg11: memref<16384xf32, #tpu.memory_space<vmem>>, %arg12: memref<!tpu.dma_semaphore, #tpu.memory_space<semaphore_mem>>, %arg13: memref<!tpu.dma_semaphore, #tpu.memory_space<semaphore_mem>>) attributes {dimension_semantics = [#tpu.dimension_semantics<core_parallel>, #tpu.dimension_semantics<subcore_parallel>], iteration_bounds = array<i64: 2, 16>, scalar_prefetch = 0 : i64, scratch_operands = 6 : i64, tpu.core_type = #tpu.core_type<sc_vector_subcore>, window_params = [{transform_indices = #map}, {transform_indices = #map}, {transform_indices = #map}, {transform_indices = #map}, {transform_indices = #map}, {transform_indices = #map}]} {
    %mul3A = arith.constant 2 : i32
    %mul3A_0 = arith.muli %arg1, %mul3A : i32
    %add3A = arith.addi %mul3A_0, %arg0 : i32
    %mul3A_1 = arith.constant 512 : i32
    %mul3A_2 = arith.muli %add3A, %mul3A_1 : i32
    "tpu.region"() ({
      %run_scoped3A = tpu.sem_alloc : memref<!tpu.dma_semaphore, #tpu.memory_space<semaphore_mem>>
      %dma_start3A = tpu.memref_slice %arg2[%mul3A_2] : memref<16384xi32, #tpu.memory_space<hbm>> -> memref<512xi32, #tpu.memory_space<hbm>>
      %dma_start3A_25 = tpu.memref_slice %arg2[%mul3A_2] : memref<16384xi32, #tpu.memory_space<hbm>> -> memref<512xi32, #tpu.memory_space<hbm>>
      tpu.enqueue_dma source(%dma_start3A_25 : memref<512xi32, #tpu.memory_space<hbm>>) target(%arg8 : memref<512xi32, #tpu.memory_space<vmem>>) target_semaphore(%run_scoped3A : memref<!tpu.dma_semaphore, #tpu.memory_space<semaphore_mem>>)
      %dma_wait3A_26 = tpu.memref_slice %arg2[%mul3A_2] : memref<16384xi32, #tpu.memory_space<hbm>> -> memref<512xi32, #tpu.memory_space<hbm>>
      %dma_wait3A_27 = tpu.memref_slice %arg2[%mul3A_2] : memref<16384xi32, #tpu.memory_space<hbm>> -> memref<512xi32, #tpu.memory_space<hbm>>
      tpu.wait_dma2 semaphore(%run_scoped3A : memref<!tpu.dma_semaphore, #tpu.memory_space<semaphore_mem>>) src(%dma_wait3A_27 : memref<512xi32, #tpu.memory_space<hbm>>) dst(%arg8 : memref<512xi32, #tpu.memory_space<vmem>>)
      tpu.yield
    }) : () -> ()
    "tpu.region"() ({
      %run_scoped3A = tpu.sem_alloc : memref<!tpu.dma_semaphore, #tpu.memory_space<semaphore_mem>>
      %dma_start3A = tpu.memref_slice %arg3[%mul3A_2] : memref<16384xi32, #tpu.memory_space<hbm>> -> memref<512xi32, #tpu.memory_space<hbm>>
      %dma_start3A_25 = tpu.memref_slice %arg3[%mul3A_2] : memref<16384xi32, #tpu.memory_space<hbm>> -> memref<512xi32, #tpu.memory_space<hbm>>
      tpu.enqueue_dma source(%dma_start3A_25 : memref<512xi32, #tpu.memory_space<hbm>>) target(%arg9 : memref<512xi32, #tpu.memory_space<vmem>>) target_semaphore(%run_scoped3A : memref<!tpu.dma_semaphore, #tpu.memory_space<semaphore_mem>>)
      %dma_wait3A_26 = tpu.memref_slice %arg3[%mul3A_2] : memref<16384xi32, #tpu.memory_space<hbm>> -> memref<512xi32, #tpu.memory_space<hbm>>
      %dma_wait3A_27 = tpu.memref_slice %arg3[%mul3A_2] : memref<16384xi32, #tpu.memory_space<hbm>> -> memref<512xi32, #tpu.memory_space<hbm>>
      tpu.wait_dma2 semaphore(%run_scoped3A : memref<!tpu.dma_semaphore, #tpu.memory_space<semaphore_mem>>) src(%dma_wait3A_27 : memref<512xi32, #tpu.memory_space<hbm>>) dst(%arg9 : memref<512xi32, #tpu.memory_space<vmem>>)
      tpu.yield
    }) : () -> ()
    %scan3A = arith.constant 0 : i32
    %scan3A_3 = arith.constant 0 : i32
    %scan3A_4 = arith.constant 32 : i32
    %scan3A_5 = arith.addi %scan3A_3, %scan3A_4 : i32
    %scan3A_6 = arith.constant 1 : i32
    scf.for %scan3A_25 = %scan3A_3 to %scan3A_5 step %scan3A_6  : i32 {
      %mul3A_26 = arith.constant 16 : i32
      %mul3A_27 = arith.muli %scan3A_25, %mul3A_26 : i32
      %get3A = arith.index_cast %mul3A_27 : i32 to index
      %get3A_28 = tpu.vector_load %arg8[%get3A] {strides = array<i32>} : memref<512xi32, #tpu.memory_space<vmem>>, vector<16xi32>,
      %get3A_29 = vector.shape_cast %get3A_28 : vector<16xi32> to vector<16xi32>
      %slice3A = vector.extract_strided_slice %get3A_29 {offsets = [0], sizes = [1], strides = [1]} : vector<16xi32> to vector<1xi32>
      %squeeze3A = vector.extract %slice3A[0] : i32 from vector<1xi32>
      %multiple_of3A = tpu.assume_multiple %squeeze3A, 32 : i32
      %add3A_30 = arith.constant 0 : i32
      %add3A_31 = arith.addi %mul3A_27, %add3A_30 : i32
      %mul3A_32 = arith.constant 32 : i32
      %mul3A_33 = arith.muli %add3A_31, %mul3A_32 : i32
      %dma_start3A = tpu.memref_slice %arg10[%mul3A_33] : memref<16384xf32, #tpu.memory_space<vmem>> -> memref<32xf32, #tpu.memory_space<vmem>>
      %dma_start3A_34 = tpu.memref_slice %arg4[%multiple_of3A] : memref<32243712xf32, #tpu.memory_space<hbm>> -> memref<32xf32, #tpu.memory_space<hbm>>
      %dma_start3A_35 = tpu.memref_slice %arg10[%mul3A_33] : memref<16384xf32, #tpu.memory_space<vmem>> -> memref<32xf32, #tpu.memory_space<vmem>>
      %dma_start3A_36 = tpu.memref_slice %arg4[%multiple_of3A] : memref<32243712xf32, #tpu.memory_space<hbm>> -> memref<32xf32, #tpu.memory_space<hbm>>
      tpu.enqueue_dma source(%dma_start3A_36 : memref<32xf32, #tpu.memory_space<hbm>>) target(%dma_start3A_35 : memref<32xf32, #tpu.memory_space<vmem>>) target_semaphore(%arg12 : memref<!tpu.dma_semaphore, #tpu.memory_space<semaphore_mem>>)
      %slice3A_37 = vector.extract_strided_slice %get3A_29 {offsets = [1], sizes = [1], strides = [1]} : vector<16xi32> to vector<1xi32>
      %squeeze3A_38 = vector.extract %slice3A_37[0] : i32 from vector<1xi32>
      %multiple_of3A_39 = tpu.assume_multiple %squeeze3A_38, 32 : i32
      %add3A_40 = arith.constant 1 : i32
      %add3A_41 = arith.addi %mul3A_27, %add3A_40 : i32
      %mul3A_42 = arith.constant 32 : i32
      %mul3A_43 = arith.muli %add3A_41, %mul3A_42 : i32
      %dma_start3A_44 = tpu.memref_slice %arg10[%mul3A_43] : memref<16384xf32, #tpu.memory_space<vmem>> -> memref<32xf32, #tpu.memory_space<vmem>>
      %dma_start3A_45 = tpu.memref_slice %arg4[%multiple_of3A_39] : memref<32243712xf32, #tpu.memory_space<hbm>> -> memref<32xf32, #tpu.memory_space<hbm>>
      %dma_start3A_46 = tpu.memref_slice %arg10[%mul3A_43] : memref<16384xf32, #tpu.memory_space<vmem>> -> memref<32xf32, #tpu.memory_space<vmem>>
      %dma_start3A_47 = tpu.memref_slice %arg4[%multiple_of3A_39] : memref<32243712xf32, #tpu.memory_space<hbm>> -> memref<32xf32, #tpu.memory_space<hbm>>
      tpu.enqueue_dma source(%dma_start3A_47 : memref<32xf32, #tpu.memory_space<hbm>>) target(%dma_start3A_46 : memref<32xf32, #tpu.memory_space<vmem>>) target_semaphore(%arg12 : memref<!tpu.dma_semaphore, #tpu.memory_space<semaphore_mem>>)
      %slice3A_48 = vector.extract_strided_slice %get3A_29 {offsets = [2], sizes = [1], strides = [1]} : vector<16xi32> to vector<1xi32>
      %squeeze3A_49 = vector.extract %slice3A_48[0] : i32 from vector<1xi32>
      %multiple_of3A_50 = tpu.assume_multiple %squeeze3A_49, 32 : i32
      %add3A_51 = arith.constant 2 : i32
      %add3A_52 = arith.addi %mul3A_27, %add3A_51 : i32
      %mul3A_53 = arith.constant 32 : i32
      %mul3A_54 = arith.muli %add3A_52, %mul3A_53 : i32
      %dma_start3A_55 = tpu.memref_slice %arg10[%mul3A_54] : memref<16384xf32, #tpu.memory_space<vmem>> -> memref<32xf32, #tpu.memory_space<vmem>>
      %dma_start3A_56 = tpu.memref_slice %arg4[%multiple_of3A_50] : memref<32243712xf32, #tpu.memory_space<hbm>> -> memref<32xf32, #tpu.memory_space<hbm>>
      %dma_start3A_57 = tpu.memref_slice %arg10[%mul3A_54] : memref<16384xf32, #tpu.memory_space<vmem>> -> memref<32xf32, #tpu.memory_space<vmem>>
      %dma_start3A_58 = tpu.memref_slice %arg4[%multiple_of3A_50] : memref<32243712xf32, #tpu.memory_space<hbm>> -> memref<32xf32, #tpu.memory_space<hbm>>
      tpu.enqueue_dma source(%dma_start3A_58 : memref<32xf32, #tpu.memory_space<hbm>>) target(%dma_start3A_57 : memref<32xf32, #tpu.memory_space<vmem>>) target_semaphore(%arg12 : memref<!tpu.dma_semaphore, #tpu.memory_space<semaphore_mem>>)
      %slice3A_59 = vector.extract_strided_slice %get3A_29 {offsets = [3], sizes = [1], strides = [1]} : vector<16xi32> to vector<1xi32>
      %squeeze3A_60 = vector.extract %slice3A_59[0] : i32 from vector<1xi32>
      %multiple_of3A_61 = tpu.assume_multiple %squeeze3A_60, 32 : i32
      %add3A_62 = arith.constant 3 : i32
      %add3A_63 = arith.addi %mul3A_27, %add3A_62 : i32
      %mul3A_64 = arith.constant 32 : i32
      %mul3A_65 = arith.muli %add3A_63, %mul3A_64 : i32
      %dma_start3A_66 = tpu.memref_slice %arg10[%mul3A_65] : memref<16384xf32, #tpu.memory_space<vmem>> -> memref<32xf32, #tpu.memory_space<vmem>>
      %dma_start3A_67 = tpu.memref_slice %arg4[%multiple_of3A_61] : memref<32243712xf32, #tpu.memory_space<hbm>> -> memref<32xf32, #tpu.memory_space<hbm>>
      %dma_start3A_68 = tpu.memref_slice %arg10[%mul3A_65] : memref<16384xf32, #tpu.memory_space<vmem>> -> memref<32xf32, #tpu.memory_space<vmem>>
      %dma_start3A_69 = tpu.memref_slice %arg4[%multiple_of3A_61] : memref<32243712xf32, #tpu.memory_space<hbm>> -> memref<32xf32, #tpu.memory_space<hbm>>
      tpu.enqueue_dma source(%dma_start3A_69 : memref<32xf32, #tpu.memory_space<hbm>>) target(%dma_start3A_68 : memref<32xf32, #tpu.memory_space<vmem>>) target_semaphore(%arg12 : memref<!tpu.dma_semaphore, #tpu.memory_space<semaphore_mem>>)
      %slice3A_70 = vector.extract_strided_slice %get3A_29 {offsets = [4], sizes = [1], strides = [1]} : vector<16xi32> to vector<1xi32>
      %squeeze3A_71 = vector.extract %slice3A_70[0] : i32 from vector<1xi32>
      %multiple_of3A_72 = tpu.assume_multiple %squeeze3A_71, 32 : i32
      %add3A_73 = arith.constant 4 : i32
      %add3A_74 = arith.addi %mul3A_27, %add3A_73 : i32
      %mul3A_75 = arith.constant 32 : i32
      %mul3A_76 = arith.muli %add3A_74, %mul3A_75 : i32
      %dma_start3A_77 = tpu.memref_slice %arg10[%mul3A_76] : memref<16384xf32, #tpu.memory_space<vmem>> -> memref<32xf32, #tpu.memory_space<vmem>>
      %dma_start3A_78 = tpu.memref_slice %arg4[%multiple_of3A_72] : memref<32243712xf32, #tpu.memory_space<hbm>> -> memref<32xf32, #tpu.memory_space<hbm>>
      %dma_start3A_79 = tpu.memref_slice %arg10[%mul3A_76] : memref<16384xf32, #tpu.memory_space<vmem>> -> memref<32xf32, #tpu.memory_space<vmem>>
      %dma_start3A_80 = tpu.memref_slice %arg4[%multiple_of3A_72] : memref<32243712xf32, #tpu.memory_space<hbm>> -> memref<32xf32, #tpu.memory_space<hbm>>
      tpu.enqueue_dma source(%dma_start3A_80 : memref<32xf32, #tpu.memory_space<hbm>>) target(%dma_start3A_79 : memref<32xf32, #tpu.memory_space<vmem>>) target_semaphore(%arg12 : memref<!tpu.dma_semaphore, #tpu.memory_space<semaphore_mem>>)
      %slice3A_81 = vector.extract_strided_slice %get3A_29 {offsets = [5], sizes = [1], strides = [1]} : vector<16xi32> to vector<1xi32>
      %squeeze3A_82 = vector.extract %slice3A_81[0] : i32 from vector<1xi32>
      %multiple_of3A_83 = tpu.assume_multiple %squeeze3A_82, 32 : i32
      %add3A_84 = arith.constant 5 : i32
      %add3A_85 = arith.addi %mul3A_27, %add3A_84 : i32
      %mul3A_86 = arith.constant 32 : i32
      %mul3A_87 = arith.muli %add3A_85, %mul3A_86 : i32
      %dma_start3A_88 = tpu.memref_slice %arg10[%mul3A_87] : memref<16384xf32, #tpu.memory_space<vmem>> -> memref<32xf32, #tpu.memory_space<vmem>>
      %dma_start3A_89 = tpu.memref_slice %arg4[%multiple_of3A_83] : memref<32243712xf32, #tpu.memory_space<hbm>> -> memref<32xf32, #tpu.memory_space<hbm>>
      %dma_start3A_90 = tpu.memref_slice %arg10[%mul3A_87] : memref<16384xf32, #tpu.memory_space<vmem>> -> memref<32xf32, #tpu.memory_space<vmem>>
      %dma_start3A_91 = tpu.memref_slice %arg4[%multiple_of3A_83] : memref<32243712xf32, #tpu.memory_space<hbm>> -> memref<32xf32, #tpu.memory_space<hbm>>
      tpu.enqueue_dma source(%dma_start3A_91 : memref<32xf32, #tpu.memory_space<hbm>>) target(%dma_start3A_90 : memref<32xf32, #tpu.memory_space<vmem>>) target_semaphore(%arg12 : memref<!tpu.dma_semaphore, #tpu.memory_space<semaphore_mem>>)
      %slice3A_92 = vector.extract_strided_slice %get3A_29 {offsets = [6], sizes = [1], strides = [1]} : vector<16xi32> to vector<1xi32>
      %squeeze3A_93 = vector.extract %slice3A_92[0] : i32 from vector<1xi32>
      %multiple_of3A_94 = tpu.assume_multiple %squeeze3A_93, 32 : i32
      %add3A_95 = arith.constant 6 : i32
      %add3A_96 = arith.addi %mul3A_27, %add3A_95 : i32
      %mul3A_97 = arith.constant 32 : i32
      %mul3A_98 = arith.muli %add3A_96, %mul3A_97 : i32
      %dma_start3A_99 = tpu.memref_slice %arg10[%mul3A_98] : memref<16384xf32, #tpu.memory_space<vmem>> -> memref<32xf32, #tpu.memory_space<vmem>>
      %dma_start3A_100 = tpu.memref_slice %arg4[%multiple_of3A_94] : memref<32243712xf32, #tpu.memory_space<hbm>> -> memref<32xf32, #tpu.memory_space<hbm>>
      %dma_start3A_101 = tpu.memref_slice %arg10[%mul3A_98] : memref<16384xf32, #tpu.memory_space<vmem>> -> memref<32xf32, #tpu.memory_space<vmem>>
      %dma_start3A_102 = tpu.memref_slice %arg4[%multiple_of3A_94] : memref<32243712xf32, #tpu.memory_space<hbm>> -> memref<32xf32, #tpu.memory_space<hbm>>
      tpu.enqueue_dma source(%dma_start3A_102 : memref<32xf32, #tpu.memory_space<hbm>>) target(%dma_start3A_101 : memref<32xf32, #tpu.memory_space<vmem>>) target_semaphore(%arg12 : memref<!tpu.dma_semaphore, #tpu.memory_space<semaphore_mem>>)
      %slice3A_103 = vector.extract_strided_slice %get3A_29 {offsets = [7], sizes = [1], strides = [1]} : vector<16xi32> to vector<1xi32>
      %squeeze3A_104 = vector.extract %slice3A_103[0] : i32 from vector<1xi32>
      %multiple_of3A_105 = tpu.assume_multiple %squeeze3A_104, 32 : i32
      %add3A_106 = arith.constant 7 : i32
      %add3A_107 = arith.addi %mul3A_27, %add3A_106 : i32
      %mul3A_108 = arith.constant 32 : i32
      %mul3A_109 = arith.muli %add3A_107, %mul3A_108 : i32
      %dma_start3A_110 = tpu.memref_slice %arg10[%mul3A_109] : memref<16384xf32, #tpu.memory_space<vmem>> -> memref<32xf32, #tpu.memory_space<vmem>>
      %dma_start3A_111 = tpu.memref_slice %arg4[%multiple_of3A_105] : memref<32243712xf32, #tpu.memory_space<hbm>> -> memref<32xf32, #tpu.memory_space<hbm>>
      %dma_start3A_112 = tpu.memref_slice %arg10[%mul3A_109] : memref<16384xf32, #tpu.memory_space<vmem>> -> memref<32xf32, #tpu.memory_space<vmem>>
      %dma_start3A_113 = tpu.memref_slice %arg4[%multiple_of3A_105] : memref<32243712xf32, #tpu.memory_space<hbm>> -> memref<32xf32, #tpu.memory_space<hbm>>
      tpu.enqueue_dma source(%dma_start3A_113 : memref<32xf32, #tpu.memory_space<hbm>>) target(%dma_start3A_112 : memref<32xf32, #tpu.memory_space<vmem>>) target_semaphore(%arg12 : memref<!tpu.dma_semaphore, #tpu.memory_space<semaphore_mem>>)
      %slice3A_114 = vector.extract_strided_slice %get3A_29 {offsets = [8], sizes = [1], strides = [1]} : vector<16xi32> to vector<1xi32>
      %squeeze3A_115 = vector.extract %slice3A_114[0] : i32 from vector<1xi32>
      %multiple_of3A_116 = tpu.assume_multiple %squeeze3A_115, 32 : i32
      %add3A_117 = arith.constant 8 : i32
      %add3A_118 = arith.addi %mul3A_27, %add3A_117 : i32
      %mul3A_119 = arith.constant 32 : i32
      %mul3A_120 = arith.muli %add3A_118, %mul3A_119 : i32
      %dma_start3A_121 = tpu.memref_slice %arg10[%mul3A_120] : memref<16384xf32, #tpu.memory_space<vmem>> -> memref<32xf32, #tpu.memory_space<vmem>>
      %dma_start3A_122 = tpu.memref_slice %arg4[%multiple_of3A_116] : memref<32243712xf32, #tpu.memory_space<hbm>> -> memref<32xf32, #tpu.memory_space<hbm>>
      %dma_start3A_123 = tpu.memref_slice %arg10[%mul3A_120] : memref<16384xf32, #tpu.memory_space<vmem>> -> memref<32xf32, #tpu.memory_space<vmem>>
      %dma_start3A_124 = tpu.memref_slice %arg4[%multiple_of3A_116] : memref<32243712xf32, #tpu.memory_space<hbm>> -> memref<32xf32, #tpu.memory_space<hbm>>
      tpu.enqueue_dma source(%dma_start3A_124 : memref<32xf32, #tpu.memory_space<hbm>>) target(%dma_start3A_123 : memref<32xf32, #tpu.memory_space<vmem>>) target_semaphore(%arg12 : memref<!tpu.dma_semaphore, #tpu.memory_space<semaphore_mem>>)
      %slice3A_125 = vector.extract_strided_slice %get3A_29 {offsets = [9], sizes = [1], strides = [1]} : vector<16xi32> to vector<1xi32>
      %squeeze3A_126 = vector.extract %slice3A_125[0] : i32 from vector<1xi32>
      %multiple_of3A_127 = tpu.assume_multiple %squeeze3A_126, 32 : i32
      %add3A_128 = arith.constant 9 : i32
      %add3A_129 = arith.addi %mul3A_27, %add3A_128 : i32
      %mul3A_130 = arith.constant 32 : i32
      %mul3A_131 = arith.muli %add3A_129, %mul3A_130 : i32
      %dma_start3A_132 = tpu.memref_slice %arg10[%mul3A_131] : memref<16384xf32, #tpu.memory_space<vmem>> -> memref<32xf32, #tpu.memory_space<vmem>>
      %dma_start3A_133 = tpu.memref_slice %arg4[%multiple_of3A_127] : memref<32243712xf32, #tpu.memory_space<hbm>> -> memref<32xf32, #tpu.memory_space<hbm>>
      %dma_start3A_134 = tpu.memref_slice %arg10[%mul3A_131] : memref<16384xf32, #tpu.memory_space<vmem>> -> memref<32xf32, #tpu.memory_space<vmem>>
      %dma_start3A_135 = tpu.memref_slice %arg4[%multiple_of3A_127] : memref<32243712xf32, #tpu.memory_space<hbm>> -> memref<32xf32, #tpu.memory_space<hbm>>
      tpu.enqueue_dma source(%dma_start3A_135 : memref<32xf32, #tpu.memory_space<hbm>>) target(%dma_start3A_134 : memref<32xf32, #tpu.memory_space<vmem>>) target_semaphore(%arg12 : memref<!tpu.dma_semaphore, #tpu.memory_space<semaphore_mem>>)
      %slice3A_136 = vector.extract_strided_slice %get3A_29 {offsets = [10], sizes = [1], strides = [1]} : vector<16xi32> to vector<1xi32>
      %squeeze3A_137 = vector.extract %slice3A_136[0] : i32 from vector<1xi32>
      %multiple_of3A_138 = tpu.assume_multiple %squeeze3A_137, 32 : i32
      %add3A_139 = arith.constant 10 : i32
      %add3A_140 = arith.addi %mul3A_27, %add3A_139 : i32
      %mul3A_141 = arith.constant 32 : i32
      %mul3A_142 = arith.muli %add3A_140, %mul3A_141 : i32
      %dma_start3A_143 = tpu.memref_slice %arg10[%mul3A_142] : memref<16384xf32, #tpu.memory_space<vmem>> -> memref<32xf32, #tpu.memory_space<vmem>>
      %dma_start3A_144 = tpu.memref_slice %arg4[%multiple_of3A_138] : memref<32243712xf32, #tpu.memory_space<hbm>> -> memref<32xf32, #tpu.memory_space<hbm>>
      %dma_start3A_145 = tpu.memref_slice %arg10[%mul3A_142] : memref<16384xf32, #tpu.memory_space<vmem>> -> memref<32xf32, #tpu.memory_space<vmem>>
      %dma_start3A_146 = tpu.memref_slice %arg4[%multiple_of3A_138] : memref<32243712xf32, #tpu.memory_space<hbm>> -> memref<32xf32, #tpu.memory_space<hbm>>
      tpu.enqueue_dma source(%dma_start3A_146 : memref<32xf32, #tpu.memory_space<hbm>>) target(%dma_start3A_145 : memref<32xf32, #tpu.memory_space<vmem>>) target_semaphore(%arg12 : memref<!tpu.dma_semaphore, #tpu.memory_space<semaphore_mem>>)
      %slice3A_147 = vector.extract_strided_slice %get3A_29 {offsets = [11], sizes = [1], strides = [1]} : vector<16xi32> to vector<1xi32>
      %squeeze3A_148 = vector.extract %slice3A_147[0] : i32 from vector<1xi32>
      %multiple_of3A_149 = tpu.assume_multiple %squeeze3A_148, 32 : i32
      %add3A_150 = arith.constant 11 : i32
      %add3A_151 = arith.addi %mul3A_27, %add3A_150 : i32
      %mul3A_152 = arith.constant 32 : i32
      %mul3A_153 = arith.muli %add3A_151, %mul3A_152 : i32
      %dma_start3A_154 = tpu.memref_slice %arg10[%mul3A_153] : memref<16384xf32, #tpu.memory_space<vmem>> -> memref<32xf32, #tpu.memory_space<vmem>>
      %dma_start3A_155 = tpu.memref_slice %arg4[%multiple_of3A_149] : memref<32243712xf32, #tpu.memory_space<hbm>> -> memref<32xf32, #tpu.memory_space<hbm>>
      %dma_start3A_156 = tpu.memref_slice %arg10[%mul3A_153] : memref<16384xf32, #tpu.memory_space<vmem>> -> memref<32xf32, #tpu.memory_space<vmem>>
      %dma_start3A_157 = tpu.memref_slice %arg4[%multiple_of3A_149] : memref<32243712xf32, #tpu.memory_space<hbm>> -> memref<32xf32, #tpu.memory_space<hbm>>
      tpu.enqueue_dma source(%dma_start3A_157 : memref<32xf32, #tpu.memory_space<hbm>>) target(%dma_start3A_156 : memref<32xf32, #tpu.memory_space<vmem>>) target_semaphore(%arg12 : memref<!tpu.dma_semaphore, #tpu.memory_space<semaphore_mem>>)
      %slice3A_158 = vector.extract_strided_slice %get3A_29 {offsets = [12], sizes = [1], strides = [1]} : vector<16xi32> to vector<1xi32>
      %squeeze3A_159 = vector.extract %slice3A_158[0] : i32 from vector<1xi32>
      %multiple_of3A_160 = tpu.assume_multiple %squeeze3A_159, 32 : i32
      %add3A_161 = arith.constant 12 : i32
      %add3A_162 = arith.addi %mul3A_27, %add3A_161 : i32
      %mul3A_163 = arith.constant 32 : i32
      %mul3A_164 = arith.muli %add3A_162, %mul3A_163 : i32
      %dma_start3A_165 = tpu.memref_slice %arg10[%mul3A_164] : memref<16384xf32, #tpu.memory_space<vmem>> -> memref<32xf32, #tpu.memory_space<vmem>>
      %dma_start3A_166 = tpu.memref_slice %arg4[%multiple_of3A_160] : memref<32243712xf32, #tpu.memory_space<hbm>> -> memref<32xf32, #tpu.memory_space<hbm>>
      %dma_start3A_167 = tpu.memref_slice %arg10[%mul3A_164] : memref<16384xf32, #tpu.memory_space<vmem>> -> memref<32xf32, #tpu.memory_space<vmem>>
      %dma_start3A_168 = tpu.memref_slice %arg4[%multiple_of3A_160] : memref<32243712xf32, #tpu.memory_space<hbm>> -> memref<32xf32, #tpu.memory_space<hbm>>
      tpu.enqueue_dma source(%dma_start3A_168 : memref<32xf32, #tpu.memory_space<hbm>>) target(%dma_start3A_167 : memref<32xf32, #tpu.memory_space<vmem>>) target_semaphore(%arg12 : memref<!tpu.dma_semaphore, #tpu.memory_space<semaphore_mem>>)
      %slice3A_169 = vector.extract_strided_slice %get3A_29 {offsets = [13], sizes = [1], strides = [1]} : vector<16xi32> to vector<1xi32>
      %squeeze3A_170 = vector.extract %slice3A_169[0] : i32 from vector<1xi32>
      %multiple_of3A_171 = tpu.assume_multiple %squeeze3A_170, 32 : i32
      %add3A_172 = arith.constant 13 : i32
      %add3A_173 = arith.addi %mul3A_27, %add3A_172 : i32
      %mul3A_174 = arith.constant 32 : i32
      %mul3A_175 = arith.muli %add3A_173, %mul3A_174 : i32
      %dma_start3A_176 = tpu.memref_slice %arg10[%mul3A_175] : memref<16384xf32, #tpu.memory_space<vmem>> -> memref<32xf32, #tpu.memory_space<vmem>>
      %dma_start3A_177 = tpu.memref_slice %arg4[%multiple_of3A_171] : memref<32243712xf32, #tpu.memory_space<hbm>> -> memref<32xf32, #tpu.memory_space<hbm>>
      %dma_start3A_178 = tpu.memref_slice %arg10[%mul3A_175] : memref<16384xf32, #tpu.memory_space<vmem>> -> memref<32xf32, #tpu.memory_space<vmem>>
      %dma_start3A_179 = tpu.memref_slice %arg4[%multiple_of3A_171] : memref<32243712xf32, #tpu.memory_space<hbm>> -> memref<32xf32, #tpu.memory_space<hbm>>
      tpu.enqueue_dma source(%dma_start3A_179 : memref<32xf32, #tpu.memory_space<hbm>>) target(%dma_start3A_178 : memref<32xf32, #tpu.memory_space<vmem>>) target_semaphore(%arg12 : memref<!tpu.dma_semaphore, #tpu.memory_space<semaphore_mem>>)
      %slice3A_180 = vector.extract_strided_slice %get3A_29 {offsets = [14], sizes = [1], strides = [1]} : vector<16xi32> to vector<1xi32>
      %squeeze3A_181 = vector.extract %slice3A_180[0] : i32 from vector<1xi32>
      %multiple_of3A_182 = tpu.assume_multiple %squeeze3A_181, 32 : i32
      %add3A_183 = arith.constant 14 : i32
      %add3A_184 = arith.addi %mul3A_27, %add3A_183 : i32
      %mul3A_185 = arith.constant 32 : i32
      %mul3A_186 = arith.muli %add3A_184, %mul3A_185 : i32
      %dma_start3A_187 = tpu.memref_slice %arg10[%mul3A_186] : memref<16384xf32, #tpu.memory_space<vmem>> -> memref<32xf32, #tpu.memory_space<vmem>>
      %dma_start3A_188 = tpu.memref_slice %arg4[%multiple_of3A_182] : memref<32243712xf32, #tpu.memory_space<hbm>> -> memref<32xf32, #tpu.memory_space<hbm>>
      %dma_start3A_189 = tpu.memref_slice %arg10[%mul3A_186] : memref<16384xf32, #tpu.memory_space<vmem>> -> memref<32xf32, #tpu.memory_space<vmem>>
      %dma_start3A_190 = tpu.memref_slice %arg4[%multiple_of3A_182] : memref<32243712xf32, #tpu.memory_space<hbm>> -> memref<32xf32, #tpu.memory_space<hbm>>
      tpu.enqueue_dma source(%dma_start3A_190 : memref<32xf32, #tpu.memory_space<hbm>>) target(%dma_start3A_189 : memref<32xf32, #tpu.memory_space<vmem>>) target_semaphore(%arg12 : memref<!tpu.dma_semaphore, #tpu.memory_space<semaphore_mem>>)
      %slice3A_191 = vector.extract_strided_slice %get3A_29 {offsets = [15], sizes = [1], strides = [1]} : vector<16xi32> to vector<1xi32>
      %squeeze3A_192 = vector.extract %slice3A_191[0] : i32 from vector<1xi32>
      %multiple_of3A_193 = tpu.assume_multiple %squeeze3A_192, 32 : i32
      %add3A_194 = arith.constant 15 : i32
      %add3A_195 = arith.addi %mul3A_27, %add3A_194 : i32
      %mul3A_196 = arith.constant 32 : i32
      %mul3A_197 = arith.muli %add3A_195, %mul3A_196 : i32
      %dma_start3A_198 = tpu.memref_slice %arg10[%mul3A_197] : memref<16384xf32, #tpu.memory_space<vmem>> -> memref<32xf32, #tpu.memory_space<vmem>>
      %dma_start3A_199 = tpu.memref_slice %arg4[%multiple_of3A_193] : memref<32243712xf32, #tpu.memory_space<hbm>> -> memref<32xf32, #tpu.memory_space<hbm>>
      %dma_start3A_200 = tpu.memref_slice %arg10[%mul3A_197] : memref<16384xf32, #tpu.memory_space<vmem>> -> memref<32xf32, #tpu.memory_space<vmem>>
      %dma_start3A_201 = tpu.memref_slice %arg4[%multiple_of3A_193] : memref<32243712xf32, #tpu.memory_space<hbm>> -> memref<32xf32, #tpu.memory_space<hbm>>
      tpu.enqueue_dma source(%dma_start3A_201 : memref<32xf32, #tpu.memory_space<hbm>>) target(%dma_start3A_200 : memref<32xf32, #tpu.memory_space<vmem>>) target_semaphore(%arg12 : memref<!tpu.dma_semaphore, #tpu.memory_space<semaphore_mem>>)
    }
    %scan3A_7 = arith.constant 32 : i32
    %scan3A_8 = arith.constant 0 : i32
    %scan3A_9 = arith.constant 0 : i32
    %scan3A_10 = arith.constant 32 : i32
    %scan3A_11 = arith.addi %scan3A_9, %scan3A_10 : i32
    %scan3A_12 = arith.constant 1 : i32
    scf.for %scan3A_25 = %scan3A_9 to %scan3A_11 step %scan3A_12  : i32 {
      %mul3A_26 = arith.constant 16 : i32
      %mul3A_27 = arith.muli %scan3A_25, %mul3A_26 : i32
      %get3A = arith.index_cast %mul3A_27 : i32 to index
      %get3A_28 = tpu.vector_load %arg9[%get3A] {strides = array<i32>} : memref<512xi32, #tpu.memory_space<vmem>>, vector<16xi32>,
      %get3A_29 = vector.shape_cast %get3A_28 : vector<16xi32> to vector<16xi32>
      %slice3A = vector.extract_strided_slice %get3A_29 {offsets = [0], sizes = [1], strides = [1]} : vector<16xi32> to vector<1xi32>
      %squeeze3A = vector.extract %slice3A[0] : i32 from vector<1xi32>
      %multiple_of3A = tpu.assume_multiple %squeeze3A, 32 : i32
      %add3A_30 = arith.constant 0 : i32
      %add3A_31 = arith.addi %mul3A_27, %add3A_30 : i32
      %mul3A_32 = arith.constant 32 : i32
      %mul3A_33 = arith.muli %add3A_31, %mul3A_32 : i32
      %dma_start3A = tpu.memref_slice %arg11[%mul3A_33] : memref<16384xf32, #tpu.memory_space<vmem>> -> memref<32xf32, #tpu.memory_space<vmem>>
      %dma_start3A_34 = tpu.memref_slice %arg5[%multiple_of3A] : memref<32243712xf32, #tpu.memory_space<hbm>> -> memref<32xf32, #tpu.memory_space<hbm>>
      %dma_start3A_35 = tpu.memref_slice %arg11[%mul3A_33] : memref<16384xf32, #tpu.memory_space<vmem>> -> memref<32xf32, #tpu.memory_space<vmem>>
      %dma_start3A_36 = tpu.memref_slice %arg5[%multiple_of3A] : memref<32243712xf32, #tpu.memory_space<hbm>> -> memref<32xf32, #tpu.memory_space<hbm>>
      tpu.enqueue_dma source(%dma_start3A_36 : memref<32xf32, #tpu.memory_space<hbm>>) target(%dma_start3A_35 : memref<32xf32, #tpu.memory_space<vmem>>) target_semaphore(%arg13 : memref<!tpu.dma_semaphore, #tpu.memory_space<semaphore_mem>>)
      %slice3A_37 = vector.extract_strided_slice %get3A_29 {offsets = [1], sizes = [1], strides = [1]} : vector<16xi32> to vector<1xi32>
      %squeeze3A_38 = vector.extract %slice3A_37[0] : i32 from vector<1xi32>
      %multiple_of3A_39 = tpu.assume_multiple %squeeze3A_38, 32 : i32
      %add3A_40 = arith.constant 1 : i32
      %add3A_41 = arith.addi %mul3A_27, %add3A_40 : i32
      %mul3A_42 = arith.constant 32 : i32
      %mul3A_43 = arith.muli %add3A_41, %mul3A_42 : i32
      %dma_start3A_44 = tpu.memref_slice %arg11[%mul3A_43] : memref<16384xf32, #tpu.memory_space<vmem>> -> memref<32xf32, #tpu.memory_space<vmem>>
      %dma_start3A_45 = tpu.memref_slice %arg5[%multiple_of3A_39] : memref<32243712xf32, #tpu.memory_space<hbm>> -> memref<32xf32, #tpu.memory_space<hbm>>
      %dma_start3A_46 = tpu.memref_slice %arg11[%mul3A_43] : memref<16384xf32, #tpu.memory_space<vmem>> -> memref<32xf32, #tpu.memory_space<vmem>>
      %dma_start3A_47 = tpu.memref_slice %arg5[%multiple_of3A_39] : memref<32243712xf32, #tpu.memory_space<hbm>> -> memref<32xf32, #tpu.memory_space<hbm>>
      tpu.enqueue_dma source(%dma_start3A_47 : memref<32xf32, #tpu.memory_space<hbm>>) target(%dma_start3A_46 : memref<32xf32, #tpu.memory_space<vmem>>) target_semaphore(%arg13 : memref<!tpu.dma_semaphore, #tpu.memory_space<semaphore_mem>>)
      %slice3A_48 = vector.extract_strided_slice %get3A_29 {offsets = [2], sizes = [1], strides = [1]} : vector<16xi32> to vector<1xi32>
      %squeeze3A_49 = vector.extract %slice3A_48[0] : i32 from vector<1xi32>
      %multiple_of3A_50 = tpu.assume_multiple %squeeze3A_49, 32 : i32
      %add3A_51 = arith.constant 2 : i32
      %add3A_52 = arith.addi %mul3A_27, %add3A_51 : i32
      %mul3A_53 = arith.constant 32 : i32
      %mul3A_54 = arith.muli %add3A_52, %mul3A_53 : i32
      %dma_start3A_55 = tpu.memref_slice %arg11[%mul3A_54] : memref<16384xf32, #tpu.memory_space<vmem>> -> memref<32xf32, #tpu.memory_space<vmem>>
      %dma_start3A_56 = tpu.memref_slice %arg5[%multiple_of3A_50] : memref<32243712xf32, #tpu.memory_space<hbm>> -> memref<32xf32, #tpu.memory_space<hbm>>
      %dma_start3A_57 = tpu.memref_slice %arg11[%mul3A_54] : memref<16384xf32, #tpu.memory_space<vmem>> -> memref<32xf32, #tpu.memory_space<vmem>>
      %dma_start3A_58 = tpu.memref_slice %arg5[%multiple_of3A_50] : memref<32243712xf32, #tpu.memory_space<hbm>> -> memref<32xf32, #tpu.memory_space<hbm>>
      tpu.enqueue_dma source(%dma_start3A_58 : memref<32xf32, #tpu.memory_space<hbm>>) target(%dma_start3A_57 : memref<32xf32, #tpu.memory_space<vmem>>) target_semaphore(%arg13 : memref<!tpu.dma_semaphore, #tpu.memory_space<semaphore_mem>>)
      %slice3A_59 = vector.extract_strided_slice %get3A_29 {offsets = [3], sizes = [1], strides = [1]} : vector<16xi32> to vector<1xi32>
      %squeeze3A_60 = vector.extract %slice3A_59[0] : i32 from vector<1xi32>
      %multiple_of3A_61 = tpu.assume_multiple %squeeze3A_60, 32 : i32
      %add3A_62 = arith.constant 3 : i32
      %add3A_63 = arith.addi %mul3A_27, %add3A_62 : i32
      %mul3A_64 = arith.constant 32 : i32
      %mul3A_65 = arith.muli %add3A_63, %mul3A_64 : i32
      %dma_start3A_66 = tpu.memref_slice %arg11[%mul3A_65] : memref<16384xf32, #tpu.memory_space<vmem>> -> memref<32xf32, #tpu.memory_space<vmem>>
      %dma_start3A_67 = tpu.memref_slice %arg5[%multiple_of3A_61] : memref<32243712xf32, #tpu.memory_space<hbm>> -> memref<32xf32, #tpu.memory_space<hbm>>
      %dma_start3A_68 = tpu.memref_slice %arg11[%mul3A_65] : memref<16384xf32, #tpu.memory_space<vmem>> -> memref<32xf32, #tpu.memory_space<vmem>>
      %dma_start3A_69 = tpu.memref_slice %arg5[%multiple_of3A_61] : memref<32243712xf32, #tpu.memory_space<hbm>> -> memref<32xf32, #tpu.memory_space<hbm>>
      tpu.enqueue_dma source(%dma_start3A_69 : memref<32xf32, #tpu.memory_space<hbm>>) target(%dma_start3A_68 : memref<32xf32, #tpu.memory_space<vmem>>) target_semaphore(%arg13 : memref<!tpu.dma_semaphore, #tpu.memory_space<semaphore_mem>>)
      %slice3A_70 = vector.extract_strided_slice %get3A_29 {offsets = [4], sizes = [1], strides = [1]} : vector<16xi32> to vector<1xi32>
      %squeeze3A_71 = vector.extract %slice3A_70[0] : i32 from vector<1xi32>
      %multiple_of3A_72 = tpu.assume_multiple %squeeze3A_71, 32 : i32
      %add3A_73 = arith.constant 4 : i32
      %add3A_74 = arith.addi %mul3A_27, %add3A_73 : i32
      %mul3A_75 = arith.constant 32 : i32
      %mul3A_76 = arith.muli %add3A_74, %mul3A_75 : i32
      %dma_start3A_77 = tpu.memref_slice %arg11[%mul3A_76] : memref<16384xf32, #tpu.memory_space<vmem>> -> memref<32xf32, #tpu.memory_space<vmem>>
      %dma_start3A_78 = tpu.memref_slice %arg5[%multiple_of3A_72] : memref<32243712xf32, #tpu.memory_space<hbm>> -> memref<32xf32, #tpu.memory_space<hbm>>
      %dma_start3A_79 = tpu.memref_slice %arg11[%mul3A_76] : memref<16384xf32, #tpu.memory_space<vmem>> -> memref<32xf32, #tpu.memory_space<vmem>>
      %dma_start3A_80 = tpu.memref_slice %arg5[%multiple_of3A_72] : memref<32243712xf32, #tpu.memory_space<hbm>> -> memref<32xf32, #tpu.memory_space<hbm>>
      tpu.enqueue_dma source(%dma_start3A_80 : memref<32xf32, #tpu.memory_space<hbm>>) target(%dma_start3A_79 : memref<32xf32, #tpu.memory_space<vmem>>) target_semaphore(%arg13 : memref<!tpu.dma_semaphore, #tpu.memory_space<semaphore_mem>>)
      %slice3A_81 = vector.extract_strided_slice %get3A_29 {offsets = [5], sizes = [1], strides = [1]} : vector<16xi32> to vector<1xi32>
      %squeeze3A_82 = vector.extract %slice3A_81[0] : i32 from vector<1xi32>
      %multiple_of3A_83 = tpu.assume_multiple %squeeze3A_82, 32 : i32
      %add3A_84 = arith.constant 5 : i32
      %add3A_85 = arith.addi %mul3A_27, %add3A_84 : i32
      %mul3A_86 = arith.constant 32 : i32
      %mul3A_87 = arith.muli %add3A_85, %mul3A_86 : i32
      %dma_start3A_88 = tpu.memref_slice %arg11[%mul3A_87] : memref<16384xf32, #tpu.memory_space<vmem>> -> memref<32xf32, #tpu.memory_space<vmem>>
      %dma_start3A_89 = tpu.memref_slice %arg5[%multiple_of3A_83] : memref<32243712xf32, #tpu.memory_space<hbm>> -> memref<32xf32, #tpu.memory_space<hbm>>
      %dma_start3A_90 = tpu.memref_slice %arg11[%mul3A_87] : memref<16384xf32, #tpu.memory_space<vmem>> -> memref<32xf32, #tpu.memory_space<vmem>>
      %dma_start3A_91 = tpu.memref_slice %arg5[%multiple_of3A_83] : memref<32243712xf32, #tpu.memory_space<hbm>> -> memref<32xf32, #tpu.memory_space<hbm>>
      tpu.enqueue_dma source(%dma_start3A_91 : memref<32xf32, #tpu.memory_space<hbm>>) target(%dma_start3A_90 : memref<32xf32, #tpu.memory_space<vmem>>) target_semaphore(%arg13 : memref<!tpu.dma_semaphore, #tpu.memory_space<semaphore_mem>>)
      %slice3A_92 = vector.extract_strided_slice %get3A_29 {offsets = [6], sizes = [1], strides = [1]} : vector<16xi32> to vector<1xi32>
      %squeeze3A_93 = vector.extract %slice3A_92[0] : i32 from vector<1xi32>
      %multiple_of3A_94 = tpu.assume_multiple %squeeze3A_93, 32 : i32
      %add3A_95 = arith.constant 6 : i32
      %add3A_96 = arith.addi %mul3A_27, %add3A_95 : i32
      %mul3A_97 = arith.constant 32 : i32
      %mul3A_98 = arith.muli %add3A_96, %mul3A_97 : i32
      %dma_start3A_99 = tpu.memref_slice %arg11[%mul3A_98] : memref<16384xf32, #tpu.memory_space<vmem>> -> memref<32xf32, #tpu.memory_space<vmem>>
      %dma_start3A_100 = tpu.memref_slice %arg5[%multiple_of3A_94] : memref<32243712xf32, #tpu.memory_space<hbm>> -> memref<32xf32, #tpu.memory_space<hbm>>
      %dma_start3A_101 = tpu.memref_slice %arg11[%mul3A_98] : memref<16384xf32, #tpu.memory_space<vmem>> -> memref<32xf32, #tpu.memory_space<vmem>>
      %dma_start3A_102 = tpu.memref_slice %arg5[%multiple_of3A_94] : memref<32243712xf32, #tpu.memory_space<hbm>> -> memref<32xf32, #tpu.memory_space<hbm>>
      tpu.enqueue_dma source(%dma_start3A_102 : memref<32xf32, #tpu.memory_space<hbm>>) target(%dma_start3A_101 : memref<32xf32, #tpu.memory_space<vmem>>) target_semaphore(%arg13 : memref<!tpu.dma_semaphore, #tpu.memory_space<semaphore_mem>>)
      %slice3A_103 = vector.extract_strided_slice %get3A_29 {offsets = [7], sizes = [1], strides = [1]} : vector<16xi32> to vector<1xi32>
      %squeeze3A_104 = vector.extract %slice3A_103[0] : i32 from vector<1xi32>
      %multiple_of3A_105 = tpu.assume_multiple %squeeze3A_104, 32 : i32
      %add3A_106 = arith.constant 7 : i32
      %add3A_107 = arith.addi %mul3A_27, %add3A_106 : i32
      %mul3A_108 = arith.constant 32 : i32
      %mul3A_109 = arith.muli %add3A_107, %mul3A_108 : i32
      %dma_start3A_110 = tpu.memref_slice %arg11[%mul3A_109] : memref<16384xf32, #tpu.memory_space<vmem>> -> memref<32xf32, #tpu.memory_space<vmem>>
      %dma_start3A_111 = tpu.memref_slice %arg5[%multiple_of3A_105] : memref<32243712xf32, #tpu.memory_space<hbm>> -> memref<32xf32, #tpu.memory_space<hbm>>
      %dma_start3A_112 = tpu.memref_slice %arg11[%mul3A_109] : memref<16384xf32, #tpu.memory_space<vmem>> -> memref<32xf32, #tpu.memory_space<vmem>>
      %dma_start3A_113 = tpu.memref_slice %arg5[%multiple_of3A_105] : memref<32243712xf32, #tpu.memory_space<hbm>> -> memref<32xf32, #tpu.memory_space<hbm>>
      tpu.enqueue_dma source(%dma_start3A_113 : memref<32xf32, #tpu.memory_space<hbm>>) target(%dma_start3A_112 : memref<32xf32, #tpu.memory_space<vmem>>) target_semaphore(%arg13 : memref<!tpu.dma_semaphore, #tpu.memory_space<semaphore_mem>>)
      %slice3A_114 = vector.extract_strided_slice %get3A_29 {offsets = [8], sizes = [1], strides = [1]} : vector<16xi32> to vector<1xi32>
      %squeeze3A_115 = vector.extract %slice3A_114[0] : i32 from vector<1xi32>
      %multiple_of3A_116 = tpu.assume_multiple %squeeze3A_115, 32 : i32
      %add3A_117 = arith.constant 8 : i32
      %add3A_118 = arith.addi %mul3A_27, %add3A_117 : i32
      %mul3A_119 = arith.constant 32 : i32
      %mul3A_120 = arith.muli %add3A_118, %mul3A_119 : i32
      %dma_start3A_121 = tpu.memref_slice %arg11[%mul3A_120] : memref<16384xf32, #tpu.memory_space<vmem>> -> memref<32xf32, #tpu.memory_space<vmem>>
      %dma_start3A_122 = tpu.memref_slice %arg5[%multiple_of3A_116] : memref<32243712xf32, #tpu.memory_space<hbm>> -> memref<32xf32, #tpu.memory_space<hbm>>
      %dma_start3A_123 = tpu.memref_slice %arg11[%mul3A_120] : memref<16384xf32, #tpu.memory_space<vmem>> -> memref<32xf32, #tpu.memory_space<vmem>>
      %dma_start3A_124 = tpu.memref_slice %arg5[%multiple_of3A_116] : memref<32243712xf32, #tpu.memory_space<hbm>> -> memref<32xf32, #tpu.memory_space<hbm>>
      tpu.enqueue_dma source(%dma_start3A_124 : memref<32xf32, #tpu.memory_space<hbm>>) target(%dma_start3A_123 : memref<32xf32, #tpu.memory_space<vmem>>) target_semaphore(%arg13 : memref<!tpu.dma_semaphore, #tpu.memory_space<semaphore_mem>>)
      %slice3A_125 = vector.extract_strided_slice %get3A_29 {offsets = [9], sizes = [1], strides = [1]} : vector<16xi32> to vector<1xi32>
      %squeeze3A_126 = vector.extract %slice3A_125[0] : i32 from vector<1xi32>
      %multiple_of3A_127 = tpu.assume_multiple %squeeze3A_126, 32 : i32
      %add3A_128 = arith.constant 9 : i32
      %add3A_129 = arith.addi %mul3A_27, %add3A_128 : i32
      %mul3A_130 = arith.constant 32 : i32
      %mul3A_131 = arith.muli %add3A_129, %mul3A_130 : i32
      %dma_start3A_132 = tpu.memref_slice %arg11[%mul3A_131] : memref<16384xf32, #tpu.memory_space<vmem>> -> memref<32xf32, #tpu.memory_space<vmem>>
      %dma_start3A_133 = tpu.memref_slice %arg5[%multiple_of3A_127] : memref<32243712xf32, #tpu.memory_space<hbm>> -> memref<32xf32, #tpu.memory_space<hbm>>
      %dma_start3A_134 = tpu.memref_slice %arg11[%mul3A_131] : memref<16384xf32, #tpu.memory_space<vmem>> -> memref<32xf32, #tpu.memory_space<vmem>>
      %dma_start3A_135 = tpu.memref_slice %arg5[%multiple_of3A_127] : memref<32243712xf32, #tpu.memory_space<hbm>> -> memref<32xf32, #tpu.memory_space<hbm>>
      tpu.enqueue_dma source(%dma_start3A_135 : memref<32xf32, #tpu.memory_space<hbm>>) target(%dma_start3A_134 : memref<32xf32, #tpu.memory_space<vmem>>) target_semaphore(%arg13 : memref<!tpu.dma_semaphore, #tpu.memory_space<semaphore_mem>>)
      %slice3A_136 = vector.extract_strided_slice %get3A_29 {offsets = [10], sizes = [1], strides = [1]} : vector<16xi32> to vector<1xi32>
      %squeeze3A_137 = vector.extract %slice3A_136[0] : i32 from vector<1xi32>
      %multiple_of3A_138 = tpu.assume_multiple %squeeze3A_137, 32 : i32
      %add3A_139 = arith.constant 10 : i32
      %add3A_140 = arith.addi %mul3A_27, %add3A_139 : i32
      %mul3A_141 = arith.constant 32 : i32
      %mul3A_142 = arith.muli %add3A_140, %mul3A_141 : i32
      %dma_start3A_143 = tpu.memref_slice %arg11[%mul3A_142] : memref<16384xf32, #tpu.memory_space<vmem>> -> memref<32xf32, #tpu.memory_space<vmem>>
      %dma_start3A_144 = tpu.memref_slice %arg5[%multiple_of3A_138] : memref<32243712xf32, #tpu.memory_space<hbm>> -> memref<32xf32, #tpu.memory_space<hbm>>
      %dma_start3A_145 = tpu.memref_slice %arg11[%mul3A_142] : memref<16384xf32, #tpu.memory_space<vmem>> -> memref<32xf32, #tpu.memory_space<vmem>>
      %dma_start3A_146 = tpu.memref_slice %arg5[%multiple_of3A_138] : memref<32243712xf32, #tpu.memory_space<hbm>> -> memref<32xf32, #tpu.memory_space<hbm>>
      tpu.enqueue_dma source(%dma_start3A_146 : memref<32xf32, #tpu.memory_space<hbm>>) target(%dma_start3A_145 : memref<32xf32, #tpu.memory_space<vmem>>) target_semaphore(%arg13 : memref<!tpu.dma_semaphore, #tpu.memory_space<semaphore_mem>>)
      %slice3A_147 = vector.extract_strided_slice %get3A_29 {offsets = [11], sizes = [1], strides = [1]} : vector<16xi32> to vector<1xi32>
      %squeeze3A_148 = vector.extract %slice3A_147[0] : i32 from vector<1xi32>
      %multiple_of3A_149 = tpu.assume_multiple %squeeze3A_148, 32 : i32
      %add3A_150 = arith.constant 11 : i32
      %add3A_151 = arith.addi %mul3A_27, %add3A_150 : i32
      %mul3A_152 = arith.constant 32 : i32
      %mul3A_153 = arith.muli %add3A_151, %mul3A_152 : i32
      %dma_start3A_154 = tpu.memref_slice %arg11[%mul3A_153] : memref<16384xf32, #tpu.memory_space<vmem>> -> memref<32xf32, #tpu.memory_space<vmem>>
      %dma_start3A_155 = tpu.memref_slice %arg5[%multiple_of3A_149] : memref<32243712xf32, #tpu.memory_space<hbm>> -> memref<32xf32, #tpu.memory_space<hbm>>
      %dma_start3A_156 = tpu.memref_slice %arg11[%mul3A_153] : memref<16384xf32, #tpu.memory_space<vmem>> -> memref<32xf32, #tpu.memory_space<vmem>>
      %dma_start3A_157 = tpu.memref_slice %arg5[%multiple_of3A_149] : memref<32243712xf32, #tpu.memory_space<hbm>> -> memref<32xf32, #tpu.memory_space<hbm>>
      tpu.enqueue_dma source(%dma_start3A_157 : memref<32xf32, #tpu.memory_space<hbm>>) target(%dma_start3A_156 : memref<32xf32, #tpu.memory_space<vmem>>) target_semaphore(%arg13 : memref<!tpu.dma_semaphore, #tpu.memory_space<semaphore_mem>>)
      %slice3A_158 = vector.extract_strided_slice %get3A_29 {offsets = [12], sizes = [1], strides = [1]} : vector<16xi32> to vector<1xi32>
      %squeeze3A_159 = vector.extract %slice3A_158[0] : i32 from vector<1xi32>
      %multiple_of3A_160 = tpu.assume_multiple %squeeze3A_159, 32 : i32
      %add3A_161 = arith.constant 12 : i32
      %add3A_162 = arith.addi %mul3A_27, %add3A_161 : i32
      %mul3A_163 = arith.constant 32 : i32
      %mul3A_164 = arith.muli %add3A_162, %mul3A_163 : i32
      %dma_start3A_165 = tpu.memref_slice %arg11[%mul3A_164] : memref<16384xf32, #tpu.memory_space<vmem>> -> memref<32xf32, #tpu.memory_space<vmem>>
      %dma_start3A_166 = tpu.memref_slice %arg5[%multiple_of3A_160] : memref<32243712xf32, #tpu.memory_space<hbm>> -> memref<32xf32, #tpu.memory_space<hbm>>
      %dma_start3A_167 = tpu.memref_slice %arg11[%mul3A_164] : memref<16384xf32, #tpu.memory_space<vmem>> -> memref<32xf32, #tpu.memory_space<vmem>>
      %dma_start3A_168 = tpu.memref_slice %arg5[%multiple_of3A_160] : memref<32243712xf32, #tpu.memory_space<hbm>> -> memref<32xf32, #tpu.memory_space<hbm>>
      tpu.enqueue_dma source(%dma_start3A_168 : memref<32xf32, #tpu.memory_space<hbm>>) target(%dma_start3A_167 : memref<32xf32, #tpu.memory_space<vmem>>) target_semaphore(%arg13 : memref<!tpu.dma_semaphore, #tpu.memory_space<semaphore_mem>>)
      %slice3A_169 = vector.extract_strided_slice %get3A_29 {offsets = [13], sizes = [1], strides = [1]} : vector<16xi32> to vector<1xi32>
      %squeeze3A_170 = vector.extract %slice3A_169[0] : i32 from vector<1xi32>
      %multiple_of3A_171 = tpu.assume_multiple %squeeze3A_170, 32 : i32
      %add3A_172 = arith.constant 13 : i32
      %add3A_173 = arith.addi %mul3A_27, %add3A_172 : i32
      %mul3A_174 = arith.constant 32 : i32
      %mul3A_175 = arith.muli %add3A_173, %mul3A_174 : i32
      %dma_start3A_176 = tpu.memref_slice %arg11[%mul3A_175] : memref<16384xf32, #tpu.memory_space<vmem>> -> memref<32xf32, #tpu.memory_space<vmem>>
      %dma_start3A_177 = tpu.memref_slice %arg5[%multiple_of3A_171] : memref<32243712xf32, #tpu.memory_space<hbm>> -> memref<32xf32, #tpu.memory_space<hbm>>
      %dma_start3A_178 = tpu.memref_slice %arg11[%mul3A_175] : memref<16384xf32, #tpu.memory_space<vmem>> -> memref<32xf32, #tpu.memory_space<vmem>>
      %dma_start3A_179 = tpu.memref_slice %arg5[%multiple_of3A_171] : memref<32243712xf32, #tpu.memory_space<hbm>> -> memref<32xf32, #tpu.memory_space<hbm>>
      tpu.enqueue_dma source(%dma_start3A_179 : memref<32xf32, #tpu.memory_space<hbm>>) target(%dma_start3A_178 : memref<32xf32, #tpu.memory_space<vmem>>) target_semaphore(%arg13 : memref<!tpu.dma_semaphore, #tpu.memory_space<semaphore_mem>>)
      %slice3A_180 = vector.extract_strided_slice %get3A_29 {offsets = [14], sizes = [1], strides = [1]} : vector<16xi32> to vector<1xi32>
      %squeeze3A_181 = vector.extract %slice3A_180[0] : i32 from vector<1xi32>
      %multiple_of3A_182 = tpu.assume_multiple %squeeze3A_181, 32 : i32
      %add3A_183 = arith.constant 14 : i32
      %add3A_184 = arith.addi %mul3A_27, %add3A_183 : i32
      %mul3A_185 = arith.constant 32 : i32
      %mul3A_186 = arith.muli %add3A_184, %mul3A_185 : i32
      %dma_start3A_187 = tpu.memref_slice %arg11[%mul3A_186] : memref<16384xf32, #tpu.memory_space<vmem>> -> memref<32xf32, #tpu.memory_space<vmem>>
      %dma_start3A_188 = tpu.memref_slice %arg5[%multiple_of3A_182] : memref<32243712xf32, #tpu.memory_space<hbm>> -> memref<32xf32, #tpu.memory_space<hbm>>
      %dma_start3A_189 = tpu.memref_slice %arg11[%mul3A_186] : memref<16384xf32, #tpu.memory_space<vmem>> -> memref<32xf32, #tpu.memory_space<vmem>>
      %dma_start3A_190 = tpu.memref_slice %arg5[%multiple_of3A_182] : memref<32243712xf32, #tpu.memory_space<hbm>> -> memref<32xf32, #tpu.memory_space<hbm>>
      tpu.enqueue_dma source(%dma_start3A_190 : memref<32xf32, #tpu.memory_space<hbm>>) target(%dma_start3A_189 : memref<32xf32, #tpu.memory_space<vmem>>) target_semaphore(%arg13 : memref<!tpu.dma_semaphore, #tpu.memory_space<semaphore_mem>>)
      %slice3A_191 = vector.extract_strided_slice %get3A_29 {offsets = [15], sizes = [1], strides = [1]} : vector<16xi32> to vector<1xi32>
      %squeeze3A_192 = vector.extract %slice3A_191[0] : i32 from vector<1xi32>
      %multiple_of3A_193 = tpu.assume_multiple %squeeze3A_192, 32 : i32
      %add3A_194 = arith.constant 15 : i32
      %add3A_195 = arith.addi %mul3A_27, %add3A_194 : i32
      %mul3A_196 = arith.constant 32 : i32
      %mul3A_197 = arith.muli %add3A_195, %mul3A_196 : i32
      %dma_start3A_198 = tpu.memref_slice %arg11[%mul3A_197] : memref<16384xf32, #tpu.memory_space<vmem>> -> memref<32xf32, #tpu.memory_space<vmem>>
      %dma_start3A_199 = tpu.memref_slice %arg5[%multiple_of3A_193] : memref<32243712xf32, #tpu.memory_space<hbm>> -> memref<32xf32, #tpu.memory_space<hbm>>
      %dma_start3A_200 = tpu.memref_slice %arg11[%mul3A_197] : memref<16384xf32, #tpu.memory_space<vmem>> -> memref<32xf32, #tpu.memory_space<vmem>>
      %dma_start3A_201 = tpu.memref_slice %arg5[%multiple_of3A_193] : memref<32243712xf32, #tpu.memory_space<hbm>> -> memref<32xf32, #tpu.memory_space<hbm>>
      tpu.enqueue_dma source(%dma_start3A_201 : memref<32xf32, #tpu.memory_space<hbm>>) target(%dma_start3A_200 : memref<32xf32, #tpu.memory_space<vmem>>) target_semaphore(%arg13 : memref<!tpu.dma_semaphore, #tpu.memory_space<semaphore_mem>>)
    }
    %scan3A_13 = arith.constant 32 : i32
    %dma_wait3A = arith.constant 0 : i32
    %dma_wait3A_14 = tpu.memref_slice %arg4[%dma_wait3A] : memref<32243712xf32, #tpu.memory_space<hbm>> -> memref<16384xf32, #tpu.memory_space<hbm>>
    %dma_wait3A_15 = arith.constant 0 : i32
    %dma_wait3A_16 = tpu.memref_slice %arg4[%dma_wait3A_15] : memref<32243712xf32, #tpu.memory_space<hbm>> -> memref<16384xf32, #tpu.memory_space<hbm>>
    tpu.wait_dma2 semaphore(%arg12 : memref<!tpu.dma_semaphore, #tpu.memory_space<semaphore_mem>>) src(%dma_wait3A_16 : memref<16384xf32, #tpu.memory_space<hbm>>) dst(%arg10 : memref<16384xf32, #tpu.memory_space<vmem>>)
    %dma_wait3A_17 = arith.constant 0 : i32
    %dma_wait3A_18 = tpu.memref_slice %arg5[%dma_wait3A_17] : memref<32243712xf32, #tpu.memory_space<hbm>> -> memref<16384xf32, #tpu.memory_space<hbm>>
    %dma_wait3A_19 = arith.constant 0 : i32
    %dma_wait3A_20 = tpu.memref_slice %arg5[%dma_wait3A_19] : memref<32243712xf32, #tpu.memory_space<hbm>> -> memref<16384xf32, #tpu.memory_space<hbm>>
    tpu.wait_dma2 semaphore(%arg13 : memref<!tpu.dma_semaphore, #tpu.memory_space<semaphore_mem>>) src(%dma_wait3A_20 : memref<16384xf32, #tpu.memory_space<hbm>>) dst(%arg11 : memref<16384xf32, #tpu.memory_space<vmem>>)
    %mul3A_21 = arith.constant 32 : i32
    %mul3A_22 = arith.muli %mul3A_2, %mul3A_21 : i32
    "tpu.region"() ({
      %run_scoped3A = tpu.sem_alloc : memref<!tpu.dma_semaphore, #tpu.memory_space<semaphore_mem>>
      %dma_start3A = tpu.memref_slice %arg6[%mul3A_22] : memref<524288xf32, #tpu.memory_space<hbm>> -> memref<16384xf32, #tpu.memory_space<hbm>>
      %dma_start3A_25 = tpu.memref_slice %arg6[%mul3A_22] : memref<524288xf32, #tpu.memory_space<hbm>> -> memref<16384xf32, #tpu.memory_space<hbm>>
      tpu.enqueue_dma source(%arg10 : memref<16384xf32, #tpu.memory_space<vmem>>) target(%dma_start3A_25 : memref<16384xf32, #tpu.memory_space<hbm>>) target_semaphore(%run_scoped3A : memref<!tpu.dma_semaphore, #tpu.memory_space<semaphore_mem>>)
      %dma_wait3A_26 = tpu.memref_slice %arg6[%mul3A_22] : memref<524288xf32, #tpu.memory_space<hbm>> -> memref<16384xf32, #tpu.memory_space<hbm>>
      %dma_wait3A_27 = tpu.memref_slice %arg6[%mul3A_22] : memref<524288xf32, #tpu.memory_space<hbm>> -> memref<16384xf32, #tpu.memory_space<hbm>>
      tpu.wait_dma2 semaphore(%run_scoped3A : memref<!tpu.dma_semaphore, #tpu.memory_space<semaphore_mem>>) src(%arg10 : memref<16384xf32, #tpu.memory_space<vmem>>) dst(%dma_wait3A_27 : memref<16384xf32, #tpu.memory_space<hbm>>)
      tpu.yield
    }) : () -> ()
    %mul3A_23 = arith.constant 32 : i32
    %mul3A_24 = arith.muli %mul3A_2, %mul3A_23 : i32
    "tpu.region"() ({
      %run_scoped3A = tpu.sem_alloc : memref<!tpu.dma_semaphore, #tpu.memory_space<semaphore_mem>>
      %dma_start3A = tpu.memref_slice %arg7[%mul3A_24] : memref<524288xf32, #tpu.memory_space<hbm>> -> memref<16384xf32, #tpu.memory_space<hbm>>
      %dma_start3A_25 = tpu.memref_slice %arg7[%mul3A_24] : memref<524288xf32, #tpu.memory_space<hbm>> -> memref<16384xf32, #tpu.memory_space<hbm>>
      tpu.enqueue_dma source(%arg11 : memref<16384xf32, #tpu.memory_space<vmem>>) target(%dma_start3A_25 : memref<16384xf32, #tpu.memory_space<hbm>>) target_semaphore(%run_scoped3A : memref<!tpu.dma_semaphore, #tpu.memory_space<semaphore_mem>>)
      %dma_wait3A_26 = tpu.memref_slice %arg7[%mul3A_24] : memref<524288xf32, #tpu.memory_space<hbm>> -> memref<16384xf32, #tpu.memory_space<hbm>>
      %dma_wait3A_27 = tpu.memref_slice %arg7[%mul3A_24] : memref<524288xf32, #tpu.memory_space<hbm>> -> memref<16384xf32, #tpu.memory_space<hbm>>
      tpu.wait_dma2 semaphore(%run_scoped3A : memref<!tpu.dma_semaphore, #tpu.memory_space<semaphore_mem>>) src(%arg11 : memref<16384xf32, #tpu.memory_space<vmem>>) dst(%dma_wait3A_27 : memref<16384xf32, #tpu.memory_space<hbm>>)
      tpu.yield
    }) : () -> ()
    return
  }
}

module attributes {stable_mosaic.version = 14 : i64} {
  func.func @_xpose_body(%arg0: i32, %arg1: memref<64x8192xf32, #tpu.memory_space<vmem>>, %arg2: memref<262144xf32, #tpu.memory_space<vmem>>) attributes {dimension_semantics = [#tpu.dimension_semantics<arbitrary>], iteration_bounds = array<i64: 123>, scalar_prefetch = 0 : i64, scratch_operands = 0 : i64, tpu.core_type = #tpu.core_type<tc>, window_params = [{transform_indices = @transform_0, window_bounds = array<i64: 64, 8192>}, {transform_indices = @transform_1, window_bounds = array<i64: 262144>}]} {
    %get3A = arith.constant 0 : index
    %get3A_0 = arith.constant 0 : index
    %get3A_1 = vector.load %arg1[%get3A, %get3A_0] : memref<64x8192xf32, #tpu.memory_space<vmem>>, vector<64x8192xf32>
    %bitcast_convert_type3A = tpu.bitcast %get3A_1 : vector<64x8192xf32> -> vector<64x8192xi32>
    %add3A = arith.constant 32768 : i32
    %add3A_2 = vector.broadcast %add3A : i32 to vector<64x8192xi32>
    %add3A_3 = arith.addi %bitcast_convert_type3A, %add3A_2 : vector<64x8192xi32>
    %and3A = arith.constant -65536 : i32
    %and3A_4 = vector.broadcast %and3A : i32 to vector<64x8192xi32>
    %and3A_5 = arith.andi %add3A_3, %and3A_4 : vector<64x8192xi32>
    %slice3A = vector.extract_strided_slice %and3A_5 {offsets = [0, 0], sizes = [32, 8192], strides = [1, 1]} : vector<64x8192xi32> to vector<32x8192xi32>
    %slice3A_6 = vector.extract_strided_slice %and3A_5 {offsets = [32, 0], sizes = [32, 8192], strides = [1, 1]} : vector<64x8192xi32> to vector<32x8192xi32>
    %shift_right_logical3A = arith.constant 16 : i32
    %shift_right_logical3A_7 = vector.broadcast %shift_right_logical3A : i32 to vector<32x8192xi32>
    %shift_right_logical3A_8 = arith.shrui %slice3A_6, %shift_right_logical3A_7 : vector<32x8192xi32>
    %or3A = arith.ori %slice3A, %shift_right_logical3A_8 : vector<32x8192xi32>
    %bitcast_convert_type3A_9 = tpu.bitcast %or3A : vector<32x8192xi32> -> vector<32x8192xf32>
    %slice3A_10 = vector.extract_strided_slice %bitcast_convert_type3A_9 {offsets = [0, 0], sizes = [32, 2048], strides = [1, 1]} : vector<32x8192xf32> to vector<32x2048xf32>
    %transpose3A = tpu.transpose %slice3A_10, [1, 0] : vector<32x2048xf32> -> vector<2048x32xf32>
    %slice3A_11 = vector.extract_strided_slice %bitcast_convert_type3A_9 {offsets = [0, 2048], sizes = [32, 2048], strides = [1, 1]} : vector<32x8192xf32> to vector<32x2048xf32>
    %transpose3A_12 = tpu.transpose %slice3A_11, [1, 0] : vector<32x2048xf32> -> vector<2048x32xf32>
    %slice3A_13 = vector.extract_strided_slice %bitcast_convert_type3A_9 {offsets = [0, 4096], sizes = [32, 2048], strides = [1, 1]} : vector<32x8192xf32> to vector<32x2048xf32>
    %transpose3A_14 = tpu.transpose %slice3A_13, [1, 0] : vector<32x2048xf32> -> vector<2048x32xf32>
    %slice3A_15 = vector.extract_strided_slice %bitcast_convert_type3A_9 {offsets = [0, 6144], sizes = [32, 2048], strides = [1, 1]} : vector<32x8192xf32> to vector<32x2048xf32>
    %transpose3A_16 = tpu.transpose %slice3A_15, [1, 0] : vector<32x2048xf32> -> vector<2048x32xf32>
    %concatenate3A = tpu.concatenate %transpose3A, %transpose3A_12, %transpose3A_14, %transpose3A_16 in 1 : vector<2048x32xf32>, vector<2048x32xf32>, vector<2048x32xf32>, vector<2048x32xf32> -> vector<2048x128xf32>
    %reshape3A = vector.shape_cast %concatenate3A : vector<2048x128xf32> to vector<262144xf32>
    %swap3A = arith.constant 0 : index
    %swap3A_17 = vector.load %arg2[%swap3A] : memref<262144xf32, #tpu.memory_space<vmem>>, vector<262144xf32>
    tpu.vector_store %arg2[%swap3A], %reshape3A {strides = array<i32>} : memref<262144xf32, #tpu.memory_space<vmem>>, vector<262144xf32>,
    return
  }
  func.func @transform_0(%arg0: i32) -> (i32, i32) {
    %c0_i32 = arith.constant 0 : i32
    %c0_i32_0 = arith.constant 0 : i32
    return %c0_i32, %arg0 : i32, i32
  }
  func.func @transform_1(%arg0: i32) -> i32 {
    %c0_i32 = arith.constant 0 : i32
    return %arg0 : i32
  }
}

module attributes {stable_mosaic.version = 14 : i64} {
  func.func @_dense_body(%arg0: i32, %arg1: memref<2048x32xf32, #tpu.memory_space<vmem>>, %arg2: memref<2048x32xf32, #tpu.memory_space<vmem>>, %arg3: memref<2048x128xf32, #tpu.memory_space<vmem>>, %arg4: memref<128x64xf32, #tpu.memory_space<vmem>>, %arg5: memref<1x64xf32, #tpu.memory_space<vmem>>, %arg6: memref<192x3xf32, #tpu.memory_space<vmem>>, %arg7: memref<1x3xf32, #tpu.memory_space<vmem>>, %arg8: memref<2048x3xf32, #tpu.memory_space<vmem>>) attributes {dimension_semantics = [#tpu.dimension_semantics<arbitrary>], iteration_bounds = array<i64: 8>, scalar_prefetch = 0 : i64, scratch_operands = 0 : i64, tpu.core_type = #tpu.core_type<tc>, window_params = [{transform_indices = @transform_0, window_bounds = array<i64: 2048, 32>}, {transform_indices = @transform_1, window_bounds = array<i64: 2048, 32>}, {transform_indices = @transform_2, window_bounds = array<i64: 2048, 128>}, {pipeline_mode = #tpu.pipeline_mode<synchronous>, transform_indices = @transform_3, window_bounds = array<i64: 128, 64>}, {pipeline_mode = #tpu.pipeline_mode<synchronous>, transform_indices = @transform_4, window_bounds = array<i64: 1, 64>}, {pipeline_mode = #tpu.pipeline_mode<synchronous>, transform_indices = @transform_5, window_bounds = array<i64: 192, 3>}, {pipeline_mode = #tpu.pipeline_mode<synchronous>, transform_indices = @transform_6, window_bounds = array<i64: 1, 3>}, {transform_indices = @transform_7, window_bounds = array<i64: 2048, 3>}]} {
    %get3A = arith.constant 0 : index
    %get3A_0 = arith.constant 0 : index
    %get3A_1 = vector.load %arg1[%get3A, %get3A_0] : memref<2048x32xf32, #tpu.memory_space<vmem>>, vector<2048x32xf32>
    %bitcast_convert_type3A = tpu.bitcast %get3A_1 : vector<2048x32xf32> -> vector<2048x32xi32>
    %and3A = arith.constant -65536 : i32
    %and3A_2 = vector.broadcast %and3A : i32 to vector<2048x32xi32>
    %and3A_3 = arith.andi %bitcast_convert_type3A, %and3A_2 : vector<2048x32xi32>
    %bitcast_convert_type3A_4 = tpu.bitcast %and3A_3 : vector<2048x32xi32> -> vector<2048x32xf32>
    %shift_left3A = arith.constant 16 : i32
    %shift_left3A_5 = vector.broadcast %shift_left3A : i32 to vector<2048x32xi32>
    %shift_left3A_6 = arith.shli %bitcast_convert_type3A, %shift_left3A_5 : vector<2048x32xi32>
    %bitcast_convert_type3A_7 = tpu.bitcast %shift_left3A_6 : vector<2048x32xi32> -> vector<2048x32xf32>
    %concatenate3A = tpu.concatenate %bitcast_convert_type3A_4, %bitcast_convert_type3A_7 in 1 : vector<2048x32xf32>, vector<2048x32xf32> -> vector<2048x64xf32>
    %get3A_8 = arith.constant 0 : index
    %get3A_9 = arith.constant 0 : index
    %get3A_10 = vector.load %arg2[%get3A_8, %get3A_9] : memref<2048x32xf32, #tpu.memory_space<vmem>>, vector<2048x32xf32>
    %bitcast_convert_type3A_11 = tpu.bitcast %get3A_10 : vector<2048x32xf32> -> vector<2048x32xi32>
    %and3A_12 = arith.constant -65536 : i32
    %and3A_13 = vector.broadcast %and3A_12 : i32 to vector<2048x32xi32>
    %and3A_14 = arith.andi %bitcast_convert_type3A_11, %and3A_13 : vector<2048x32xi32>
    %bitcast_convert_type3A_15 = tpu.bitcast %and3A_14 : vector<2048x32xi32> -> vector<2048x32xf32>
    %shift_left3A_16 = arith.constant 16 : i32
    %shift_left3A_17 = vector.broadcast %shift_left3A_16 : i32 to vector<2048x32xi32>
    %shift_left3A_18 = arith.shli %bitcast_convert_type3A_11, %shift_left3A_17 : vector<2048x32xi32>
    %bitcast_convert_type3A_19 = tpu.bitcast %shift_left3A_18 : vector<2048x32xi32> -> vector<2048x32xf32>
    %concatenate3A_20 = tpu.concatenate %bitcast_convert_type3A_15, %bitcast_convert_type3A_19 in 1 : vector<2048x32xf32>, vector<2048x32xf32> -> vector<2048x64xf32>
    %get3A_21 = arith.constant 0 : index
    %get3A_22 = arith.constant 0 : index
    %get3A_23 = vector.load %arg3[%get3A_21, %get3A_22] : memref<2048x128xf32, #tpu.memory_space<vmem>>, vector<2048x128xf32>
    %get3A_24 = arith.constant 0 : index
    %get3A_25 = arith.constant 0 : index
    %get3A_26 = vector.load %arg4[%get3A_24, %get3A_25] : memref<128x64xf32, #tpu.memory_space<vmem>>, vector<128x64xf32>
    %dot_general3A = arith.constant dense<0.000000e+00> : vector<2048x64xf32>
    %dot_general3A_27 = tpu.matmul %get3A_23, %get3A_26, %dot_general3A {dimension_numbers = #tpu.dot_dimension_numbers<[1], [0], [0], [1], [0, 0, 1, 1], [], []>, transpose_lhs_hint = false} : vector<2048x128xf32>, vector<128x64xf32>, vector<2048x64xf32> -> vector<2048x64xf32>
    %get3A_28 = arith.constant 0 : index
    %get3A_29 = arith.constant 0 : index
    %get3A_30 = vector.load %arg5[%get3A_28, %get3A_29] : memref<1x64xf32, #tpu.memory_space<vmem>>, vector<1x64xf32>
    %add3A = vector.broadcast %get3A_30 : vector<1x64xf32> to vector<2048x64xf32>
    %add3A_31 = arith.addf %dot_general3A_27, %add3A : vector<2048x64xf32>
    %get3A_32 = arith.constant 0 : index
    %get3A_33 = arith.constant 0 : index
    %get3A_34 = vector.load %arg6[%get3A_32, %get3A_33] : memref<192x3xf32, #tpu.memory_space<vmem>>, vector<192x3xf32>
    %slice3A = vector.extract_strided_slice %get3A_34 {offsets = [0, 0], sizes = [64, 3], strides = [1, 1]} : vector<192x3xf32> to vector<64x3xf32>
    %dot_general3A_35 = arith.constant dense<0.000000e+00> : vector<2048x3xf32>
    %dot_general3A_36 = tpu.matmul %concatenate3A, %slice3A, %dot_general3A_35 {dimension_numbers = #tpu.dot_dimension_numbers<[1], [0], [0], [1], [0, 0, 1, 1], [], []>, transpose_lhs_hint = false} : vector<2048x64xf32>, vector<64x3xf32>, vector<2048x3xf32> -> vector<2048x3xf32>
    %slice3A_37 = vector.extract_strided_slice %get3A_34 {offsets = [64, 0], sizes = [64, 3], strides = [1, 1]} : vector<192x3xf32> to vector<64x3xf32>
    %dot_general3A_38 = arith.constant dense<0.000000e+00> : vector<2048x3xf32>
    %dot_general3A_39 = tpu.matmul %add3A_31, %slice3A_37, %dot_general3A_38 {dimension_numbers = #tpu.dot_dimension_numbers<[1], [0], [0], [1], [0, 0, 1, 1], [], []>, transpose_lhs_hint = false} : vector<2048x64xf32>, vector<64x3xf32>, vector<2048x3xf32> -> vector<2048x3xf32>
    %add3A_40 = arith.addf %dot_general3A_36, %dot_general3A_39 : vector<2048x3xf32>
    %slice3A_41 = vector.extract_strided_slice %get3A_34 {offsets = [128, 0], sizes = [64, 3], strides = [1, 1]} : vector<192x3xf32> to vector<64x3xf32>
    %dot_general3A_42 = arith.constant dense<0.000000e+00> : vector<2048x3xf32>
    %dot_general3A_43 = tpu.matmul %concatenate3A_20, %slice3A_41, %dot_general3A_42 {dimension_numbers = #tpu.dot_dimension_numbers<[1], [0], [0], [1], [0, 0, 1, 1], [], []>, transpose_lhs_hint = false} : vector<2048x64xf32>, vector<64x3xf32>, vector<2048x3xf32> -> vector<2048x3xf32>
    %add3A_44 = arith.addf %add3A_40, %dot_general3A_43 : vector<2048x3xf32>
    %get3A_45 = arith.constant 0 : index
    %get3A_46 = arith.constant 0 : index
    %get3A_47 = vector.load %arg7[%get3A_45, %get3A_46] : memref<1x3xf32, #tpu.memory_space<vmem>>, vector<1x3xf32>
    %add3A_48 = vector.broadcast %get3A_47 : vector<1x3xf32> to vector<2048x3xf32>
    %add3A_49 = arith.addf %add3A_44, %add3A_48 : vector<2048x3xf32>
    %swap3A = arith.constant 0 : index
    %swap3A_50 = arith.constant 0 : index
    %swap3A_51 = vector.load %arg8[%swap3A, %swap3A_50] : memref<2048x3xf32, #tpu.memory_space<vmem>>, vector<2048x3xf32>
    tpu.vector_store %arg8[%swap3A, %swap3A_50], %add3A_49 {strides = array<i32>} : memref<2048x3xf32, #tpu.memory_space<vmem>>, vector<2048x3xf32>,
    return
  }
  func.func @transform_0(%arg0: i32) -> (i32, i32) {
    %c0_i32 = arith.constant 0 : i32
    %c0_i32_0 = arith.constant 0 : i32
    return %arg0, %c0_i32 : i32, i32
  }
  func.func @transform_1(%arg0: i32) -> (i32, i32) {
    %c0_i32 = arith.constant 0 : i32
    %c0_i32_0 = arith.constant 0 : i32
    return %arg0, %c0_i32 : i32, i32
  }
  func.func @transform_2(%arg0: i32) -> (i32, i32) {
    %c0_i32 = arith.constant 0 : i32
    %c0_i32_0 = arith.constant 0 : i32
    return %arg0, %c0_i32 : i32, i32
  }
  func.func @transform_3(%arg0: i32) -> (i32, i32) {
    %c0_i32 = arith.constant 0 : i32
    %c0_i32_0 = arith.constant 0 : i32
    %c0_i32_1 = arith.constant 0 : i32
    return %c0_i32, %c0_i32_0 : i32, i32
  }
  func.func @transform_4(%arg0: i32) -> (i32, i32) {
    %c0_i32 = arith.constant 0 : i32
    %c0_i32_0 = arith.constant 0 : i32
    %c0_i32_1 = arith.constant 0 : i32
    return %c0_i32, %c0_i32_0 : i32, i32
  }
  func.func @transform_5(%arg0: i32) -> (i32, i32) {
    %c0_i32 = arith.constant 0 : i32
    %c0_i32_0 = arith.constant 0 : i32
    %c0_i32_1 = arith.constant 0 : i32
    return %c0_i32, %c0_i32_0 : i32, i32
  }
  func.func @transform_6(%arg0: i32) -> (i32, i32) {
    %c0_i32 = arith.constant 0 : i32
    %c0_i32_0 = arith.constant 0 : i32
    %c0_i32_1 = arith.constant 0 : i32
    return %c0_i32, %c0_i32_0 : i32, i32
  }
  func.func @transform_7(%arg0: i32) -> (i32, i32) {
    %c0_i32 = arith.constant 0 : i32
    %c0_i32_0 = arith.constant 0 : i32
    return %arg0, %c0_i32 : i32, i32
  }
}

</mosaic_0001>

<sc_bundles>
// kernel: kernel.6.cloned.1.call-start
scs
__scs_entry_jumppad:
0x0: {  	(pc) =	sbr.rel $0x88, $3  }
0x1: {  	(tag) =	ssettag $0x0;
	lr =	simm.s32 $0x1  }
0x2: {  	[smem:$0x3F98] =	sst lr;
	_ =	strace $0xD0000000  }
0x3: {  	_ = 	snop  }
0x4: {  	_ = 	snop  }
0x5: {  	_ = 	snop  }
0x6: {  	_ = 	snop  }
0x7: {  	_ = 	snop  }
__scs_overlays_trampoline_lowered:
0x8: {  	[smem:$0x3FA7] =	sst s0  }
0x9: {  	[smem:$0x3FA8] =	sst s1  }
0xa: {  	[smem:$0x3FA9] =	sst s2  }
0xb: {  	[smem:$0x3FAA] =	sst s3  }
0xc: {  	[smem:$0x3FAB] =	sst s4  }
0xd: {  	[smem:$0x3FAC] =	sst s5  }
0xe: {  	[smem:$0x3FAD] =	sst s6  }
0xf: {  	[smem:$0x3FAE] =	sst s7  }
0x10: {  	[smem:$0x3FAF] =	sst s8  }
0x11: {  	[smem:$0x3FB0] =	sst s9;
	s0 =	simm.s32 @!p0 $0x0  }
0x12: {  	s1 =	sld [smem:$0x3F96];
	s0 =	simm.s32 @p0 $0x1  }
0x13: {  	[smem:$0x3FB1] =	sst s0;
	s0 =	simm.s32 @!p1 $0x0  }
0x14: {  	s2 =	sld [smem:$0x3F95];
	s0 =	simm.s32 @p1 $0x1  }
0x15: {  	[smem:$0x3FB2] =	sst s0;
	s0 =	simm.s32 @!p2 $0x0  }
0x16: {  	s3 =	sld [smem:$0x3FDB];
	s0 =	simm.s32 @p2 $0x1  }
0x17: {  	s4 =	simm.s32 $0x1BF5;
	[smem:$0x3FB4] =	sst s0  }
0x18: {  	s0 =	sld [smem:$0x3F97];
	_ =	swait.ge [sflag:s4], $0x0  }
0x19: {  	s7 =	sld [smem:$0x3F98]  }
0x1a: {  	s8 =	sadd.s32 $0xFFFFE003, lr  }
0x1b: {  	s9 =	sadd.s32 $0xFFFFFEF7, lr;
	s5 =	simm.s32 $0xFFFFFFFF;
	p2 =	slt.u32 s8, $0xFFFFF086  }
0x1c: {  	p1 =	slt.u32 s9, $0xF7A;
	s5 =	simm.s32 @!p2 $0x0  }
0x1d: {  	s5 =	simm.s32 @p1 $0x1;
	p0 =	seq.s32 s7, s2  }
0x1e: {  	s7 =	smul.u32 @!p0 $0xF7A, s2;
	p2 =	seq.s32 @!p0 s5, $0x0  }
0x1f: {  	s9 =	smul.u32 $0xF7A, s1;
	s8 =	simm.s32 @!p0 $0x1BF5;
	p2 =	por !p2, p0  }
0x20: {  	[sflag:s8] =	ssyncset.s32 @!p0 $0xFFFFF086;
	s6 =	sadd.s32 @!p0 s3, s7;
	s7 =	simm.s32 @!p0 $0x108  }
0x21: {  	s3 =	sadd.s32 s3, s9;
	s6 =	sadd.s32 @!p0 $0x88, s6;
	s7 =	simm.s32 @p2 $0x1082  }
0x22: {  	[simem:s7], [sflag:s8] =	dma.local @!p0 [hbm:s6], $0xF7A  }
0x23: {  	s9 =	sor.u32 $0xD0000000, s2;
	s6 =	simm.s32 $0x108;
	_ =	swait.ge @!p0 [sflag:s8], $0x0  }
0x24: {  	s3 =	sadd.s32 $0x88, s3;
	s6 =	simm.s32 @!p1 $0x1082;
	[sflag:s4] =	ssyncset.s32 $0xFFFFF086  }
0x25: {  	[simem:s6], [sflag:s4] =	dma.local [hbm:s3], $0xF7A  }
0x26: {  	[smem:$0x3F98] =	sst s1;
	(tag) =	ssettag s2;
	_ =	strace s9  }
0x27: {  	s1 =	sld [smem:$0x3FA8]  }
0x28: {  	s2 =	sld [smem:$0x3FA9]  }
0x29: {  	s4 =	sld [smem:$0x3FAB]  }
0x2a: {  	p0 =	seq.s32 s5, $0x0;
	s5 =	sld [smem:$0x3FAC]  }
0x2b: {  	s6 =	sld [smem:$0x3FAD]  }
0x2c: {  	s7 =	sld [smem:$0x3FAE]  }
0x2d: {  	s3 =	simm.s32 $0x108;
	s8 =	sld [smem:$0x3FAF]  }
0x2e: {  	s3 =	simm.s32 @!p0 $0x1082;
	s9 =	sld [smem:$0x3FB0]  }
0x2f: {  	lr =	sadd.s32 s0, s3;
	s0 =	sld [smem:$0x3FA7]  }
0x30: {  	s3 =	sld [smem:$0x3FAA]  }
0x31: {  	[smem:$0x3FB3] =	sst s10  }
0x32: {  	s10 =	sld [smem:$0x3FB1];
	_ =	sdelay $0x3  }
0x33: {  	p0 =	seq.s32 s10, $0x1;
	s10 =	sld [smem:$0x3FB3];
	_ =	sdelay $0x3  }
0x34: {  	[smem:$0x3FB3] =	sst s10  }
0x35: {  	s10 =	sld [smem:$0x3FB2];
	_ =	sdelay $0x3  }
0x36: {  	p1 =	seq.s32 s10, $0x1;
	s10 =	sld [smem:$0x3FB3];
	_ =	sdelay $0x3  }
0x37: {  	[smem:$0x3FB3] =	sst s10  }
0x38: {  	s10 =	sld [smem:$0x3FB4]  }
0x39: {  	_ = 	snop;
	(pc) =	sbr.ind lr, $3  }
0x3a: {  	_ = 	snop  }
0x3b: {  	_ = 	snop  }
0x3c: {  	p2 =	seq.s32 s10, $0x1;
	s10 =	sld [smem:$0x3FB3]  }
0x3d: {  	_ =	shalt  }
0x3e: {  	_ =	shalt  }
0x3f: {  	_ =	shalt  }
0x40: {  	_ =	shalt  }
0x41: {  	_ =	shalt  }
0x42: {  	_ =	shalt  }
0x43: {  	_ =	shalt  }
0x44: {  	_ =	shalt  }
0x45: {  	_ =	shalt  }
0x46: {  	_ =	shalt  }
0x47: {  	_ =	shalt  }
0x48: {  	_ =	shalt  }
0x49: {  	_ =	shalt  }
0x4a: {  	_ =	shalt  }
0x4b: {  	_ =	shalt  }
0x4c: {  	_ =	shalt  }
0x4d: {  	_ =	shalt  }
0x4e: {  	_ =	shalt  }
0x4f: {  	_ =	shalt  }
0x50: {  	_ =	shalt  }
0x51: {  	_ =	shalt  }
0x52: {  	_ =	shalt  }
0x53: {  	_ =	shalt  }
0x54: {  	_ =	shalt  }
0x55: {  	_ =	shalt  }
0x56: {  	_ =	shalt  }
0x57: {  	_ =	shalt  }
0x58: {  	_ =	shalt  }
0x59: {  	_ =	shalt  }
0x5a: {  	_ =	shalt  }
0x5b: {  	_ =	shalt  }
0x5c: {  	_ =	shalt  }
0x5d: {  	_ =	shalt  }
0x5e: {  	_ =	shalt  }
0x5f: {  	_ =	shalt  }
0x60: {  	_ =	shalt  }
0x61: {  	_ =	shalt  }
0x62: {  	_ =	shalt  }
0x63: {  	_ =	shalt  }
0x64: {  	_ =	shalt  }
0x65: {  	_ =	shalt  }
0x66: {  	_ =	shalt  }
0x67: {  	_ =	shalt  }
0x68: {  	_ =	shalt  }
0x69: {  	_ =	shalt  }
0x6a: {  	_ =	shalt  }
0x6b: {  	_ =	shalt  }
0x6c: {  	_ =	shalt  }
0x6d: {  	_ =	shalt  }
0x6e: {  	_ =	shalt  }
0x6f: {  	_ =	shalt  }
0x70: {  	_ =	shalt  }
0x71: {  	_ =	shalt  }
0x72: {  	_ =	shalt  }
0x73: {  	_ =	shalt  }
0x74: {  	_ =	shalt  }
0x75: {  	_ =	shalt  }
0x76: {  	_ =	shalt  }
0x77: {  	_ =	shalt  }
0x78: {  	_ =	shalt  }
0x79: {  	_ =	shalt  }
0x7a: {  	_ =	shalt  }
0x7b: {  	_ =	shalt  }
0x7c: {  	_ =	shalt  }
0x7d: {  	_ =	shalt  }
0x7e: {  	_ =	shalt  }
0x7f: {  	_ =	shalt  }
0x80: {  	_ =	shalt  }
0x81: {  	_ =	shalt  }
0x82: {  	_ =	shalt  }
0x83: {  	_ =	shalt  }
0x84: {  	_ =	shalt  }
0x85: {  	_ =	shalt  }
0x86: {  	_ =	shalt  }
0x87: {  	_ =	shalt  }
.Lfunc_end0:
.L_simem_size_0:
called_computation_lowered:
.L_overlay_start_0:
0x88: {  	s2 =	sld [smem:$0x3FD9]  }
0x89: {  	s3 =	sld [smem:$0x3FFE];
	_ =	sdelay $0x1  }
0x8a: {  	s1 =	srdreg.scid  }
0x8b: {  	s0 =	sand.u32 $0x1, s1  }
0x8c: {  	s17 =	sshll.u32 s0, $0xA;
	s2 =	sadd.s32 s3, s2  }
0x8d: {  	s2 =	sadd.s32 s2, s17  }
0x8e: {  	[smem:$0x3FBF] =	sst s2  }
0x8f: {  	_ = 	snop  }
0x90: {  	s2 =	sld [smem:$0x3FD0];
	(tm) =	ssettm $0x1  }
0x91: {  	s18 =	sld [smem:$0x3FFB];
	_ =	sdelay $0x3  }
0x92: {  	_ =	strace s18  }
0x93: {  	s3 =	sld [smem:$0x3FFC];
	_ =	sdelay $0x3  }
0x94: {  	_ =	strace s3  }
0x95: {  	s3 =	sld [smem:$0x3FFD];
	_ =	sdelay $0x3  }
0x96: {  	_ =	strace s3  }
0x97: {  	_ =	strace $0x8FFFFFFF  }
0x98: {  	s19 =	sld [smem:$0x3FDB];
	_ =	sdelay $0x1  }
0x99: {  	s4 =	simm.s32 $_scs_section_size  }
0x9a: {  	s5 =	simm.s32 $_size__tile_overlayer_lowered;
	s6 =	simm.s32 $_tile_overlayer_lowered  }
0x9b: {  	s22 =	simm.s32 $0x1BFF;
	s21 =	sshll.u32 s6, $0x1;
	s3 =	sadd.s32 s4, s19  }
0x9c: {  	s7 =	simm.s32 $0x0;
	s20 =	sshll.u32 s5, $0x1;
	s5 =	sadd.s32 s21, s3  }
0x9d: {  	[timem:s7], [sflag:s22] =	dma.local [hbm:s5], s20  }
0x9e: {  	_ =	swait.ge [sflag:s22], s20  }
0x9f: {  	s4 =	ssub.s32 $0x0, s20;
	[sflag:s22] =	ssyncset.done $0x0  }
0xa0: {  	[sflag:s22] =	ssyncadd.s32 s4;
	_ =	sdelay $0x1  }
0xa1: {  	s23 =	simm.s32 $0x1B8B  }
0xa2: {  	_ =	swait.ge [sflag:s23], $0x1  }
0xa3: {  	[sflag:s23] =	ssyncset.done $0x0  }
0xa4: {  	s25 =	simm.s32 $0x1B8E;
	s24 =	sld [smem:$0x3FFE];
	[sflag:s23] =	ssyncadd.s32 $0xFFFFFFFF  }
0xa5: {  	s26 =	simm.s32 $execute0_lowered;
	[smem:$0x3FD2] =	sst s25  }
0xa6: {  	s5 =	sshll.u32 s26, $0x1;
	_ =	strace $0x80000046;
	[dreg:$0x1] =	wrdreg $0xFFFFFFFF  }
0xa7: {  	s28 =	simm.s32 $_size_execute0_lowered;
	s3 =	sadd.s32 s3, s5;
	[dreg:$0x0] =	wrdreg $0x0  }
0xa8: {  	s5 =	sshll.u32 s28, $0x1;
	[dreg:$0x2] =	wrdreg s3  }
0xa9: {  	[dreg:$0x3] =	wrdreg s5  }
0xaa: {  	[dreg:$0x4] =	wrdreg $0xC0  }
0xab: {  	_ =	task [dreg:s7], $0x5FFFF  }
0xac: {  	[dreg:$0x1] =	wrdreg $0xFFFFFFFF  }
0xad: {  	[dreg:$0x0] =	wrdreg $0x60  }
0xae: {  	[dreg:$0x2] =	wrdreg s2  }
0xaf: {  	[dreg:$0x3] =	wrdreg s24  }
0xb0: {  	[dreg:$0x4] =	wrdreg $0x9  }
0xb1: {  	_ =	task.clear_ibuf [dreg:s7], $0x5FFFF;
	_ =	strace $0x90000046  }
0xb2: {  	s29 =	simm.s32 $0x9;
	_ =	strace $0x80000048  }
0xb3: {  	_ =	swait.ge [sflag:s29], $0x1  }
0xb4: {  	[sflag:s29] =	ssyncadd.s32 $0xFFFFFFFF  }
0xb5: {  	_ =	strace $0x90000048  }
0xb6: {  	_ =	sfence  }
0xb7: {  	s30 =	sld [smem:$0x0];
	_ =	sdelay $0x2  }
0xb8: {  	s31 =	sshll.u32 s1, $0xD;
	s1 =	sshrl.u32 s1, $0x2  }
0xb9: {  	s3 =	sand.u32 $0x4000, s31;
	s1 =	sadd.s32 s1, s30  }
0xba: {  	s0 =	sor.u32 s3, s0;
	s1 =	sshll.u32 s1, $0x11  }
0xbb: {  	s0 =	sor.u32 s1, s0  }
0xbc: {  	s0 =	sadd.s32 $0x8F2B, s0  }
0xbd: {  	[sflag:s0] =	ssyncadd.remote.s32 $0x1  }
0xbe: {  	_ =	sfence.sel $0xFFFF  }
0xbf: {  	[dreg:$0x0] =	wrdreg $0xFFFFFFFF;
	(pc) =	sbr.abs _section_cstart, $3  }
0xc0: {  	[dreg:$0x1] =	wrdreg $0xFFFFFFFF  }
0xc1: {  	_ =	task.clear_ibuf [dreg:s7], $0x2FFFF;
	_ =	strace $0x9FFFFFFF  }
0xc2: {  	(tm) =	ssettm $0x7FFFFFFF  }
0xc3: {  	_ =	shalt  }
tec
execute0_lowered:
.L_overlay_start_1:
0x0: {  	(tag) =	ssettag $0x1  }
0x1: {  	s3 =	rddreg [dreg:$0x0]  }
0x2: {  	s4 =	rddreg [dreg:$0x1]  }
0x3: {  	s0 =	rddreg [dreg:$0x2];
	s5 =	srdreg.scid  }
0x4: {  	s1 =	stileid.u32;
	s2 =	simm.s32 $0x0;
	s11 =	simm.s32 $0x2  }
0x5: {  	s12 =	simm.s32 $0x400;
	s13 =	simm.s32 $0x4400;
	s14 =	simm.s32 $0x0  }
0x6: {  	s5 =	sand.u32 $0x1, s5;
	s6 =	sshll.u32 s1, $0x1;
	[smem:$0x7FF] =	sst s2  }
0x7: {  	s8 =	sadd.s32 $0x3D9600, s4;
	s30 =	sadd.s32 $0x1600, s4;
	s6 =	sor.u32 s5, s6  }
0x8: {  	_ =	strace $0x80000047;
	[dreg:$0x3] =	wrdreg s8;
	s5 =	ssub.s32 $0x2, s5  }
0x9: {  	[dreg:$0x4] =	wrdreg s30;
	s8 =	simm.s32 $0x3;
	s7 =	sshll.u32 s6, $0x6  }
0xa: {  	s6 =	sshll.u32 s6, $0xB;
	s10 =	sshrl.u32 s5, $0x1;
	s9 =	sadd.s32 s7, s4  }
0xb: {  	s6 =	sadd.s32 s6, s4;
	s31 =	ssub.s32 s5, s10;
	s3 =	sadd.s32 s3, s7  }
0xc: {  	s10 =	simm.s32 $0x1;
	s4 =	sadd.s32 $0x7B1600, s9;
	s5 =	sadd.s32 $0x7B1E00, s6  }
0xd: {  	s6 =	sadd.s32 $0x7C1E00, s6;
	s7 =	smax.u32 s31, $0x1;
	s9 =	simm.s32 $0x200  }
.LBB2_1:
0xe: {  	[tilespmem:s2], [sflag:$0x3] =	stream.linear.gather [hbm4b:s3+s2], $0x200, $0x38;
	[tilespmem:$0x8400] =	vst v63  }
0xf: {  	_ =	swait.ge [sflag:s8], $0x200  }
0x10: {  	[sflag:s8] =	ssyncset.done $0x0  }
0x11: {  	[sflag:s8] =	ssyncadd.s32 $0xFFFFFE00  }
0x12: {  	[tilespmem:s9], [sflag:$0x3] =	stream.linear.gather [hbm4b:s4+s2], $0x200, $0x38;
	[tilespmem:$0x8400] =	vst v63  }
0x13: {  	_ =	swait.ge [sflag:s8], $0x200  }
0x14: {  	[sflag:s8] =	ssyncset.done $0x0  }
0x15: {  	[sflag:s8] =	ssyncadd.s32 $0xFFFFFE00  }
0x16: {  	v0 =	vld [tilespmem:s2+$0x0];
	_ =	sdelay $0x4  }
0x17: {  	s15 =	rddreg [dreg:$0x3];
	v0 =	vshrl.u32 v0, $0x3  }
0x18: {  	v0 =	vadd.s32 s15, v0  }
0x19: {  	(v2sf) =	vpush v0, $0x0;
	_ =	sdelay $0x1  }
0x1a: {  	(v2sf) =	vpush v0, $0x1;
	_ =	sdelay $0x1  }
0x1b: {  	(v2sf) =	vpush v0, $0x2;
	_ =	sdelay $0x1  }
0x1c: {  	(v2sf) =	vpush v0, $0x3;
	_ =	sdelay $0x1  }
0x1d: {  	(v2sf) =	vpush v0, $0x4;
	_ =	sdelay $0x1  }
0x1e: {  	(v2sf) =	vpush v0, $0x5;
	_ =	sdelay $0x1  }
0x1f: {  	(v2sf) =	vpush v0, $0x6;
	_ =	sdelay $0x1  }
0x20: {  	(v2sf) =	vpush v0, $0x7  }
0x21: {  	s31 =	simm.s32 $0x400;
	s16 =	spop (v2sf)  }
0x22: {  	(v2sf) =	vpush v0, $0x8;
	[tilespmem:s31], [sflag:$0x1] =	stream.linear.gather [hbm4b:s16+s2], $0x20, $0x38;
	[tilespmem:$0x8400] =	vst v63  }
0x23: {  	s17 =	simm.s32 $0x420;
	s18 =	spop (v2sf);
	(v2sf) =	vpush v0, $0x9  }
0x24: {  	[tilespmem:s17], [sflag:$0x1] =	stream.linear.gather [hbm4b:s18+s2], $0x20, $0x38;
	[tilespmem:$0x8400] =	vst v63  }
0x25: {  	s19 =	simm.s32 $0x440;
	s20 =	spop (v2sf);
	(v2sf) =	vpush v0, $0xA  }
0x26: {  	[tilespmem:s19], [sflag:$0x1] =	stream.linear.gather [hbm4b:s20+s2], $0x20, $0x38;
	[tilespmem:$0x8400] =	vst v63  }
0x27: {  	s21 =	simm.s32 $0x460;
	s22 =	spop (v2sf);
	(v2sf) =	vpush v0, $0xB  }
0x28: {  	[tilespmem:s21], [sflag:$0x1] =	stream.linear.gather [hbm4b:s22+s2], $0x20, $0x38;
	[tilespmem:$0x8400] =	vst v63  }
0x29: {  	s23 =	simm.s32 $0x480;
	s24 =	spop (v2sf);
	(v2sf) =	vpush v0, $0xC  }
0x2a: {  	[tilespmem:s23], [sflag:$0x1] =	stream.linear.gather [hbm4b:s24+s2], $0x20, $0x38;
	[tilespmem:$0x8400] =	vst v63  }
0x2b: {  	s25 =	simm.s32 $0x4A0;
	s26 =	spop (v2sf);
	(v2sf) =	vpush v0, $0xD  }
0x2c: {  	[tilespmem:s25], [sflag:$0x1] =	stream.linear.gather [hbm4b:s26+s2], $0x20, $0x38;
	[tilespmem:$0x8400] =	vst v63  }
0x2d: {  	s28 =	simm.s32 $0x4C0;
	s29 =	spop (v2sf);
	(v2sf) =	vpush v0, $0xE  }
0x2e: {  	[tilespmem:s28], [sflag:$0x1] =	stream.linear.gather [hbm4b:s29+s2], $0x20, $0x38;
	[tilespmem:$0x8400] =	vst v63  }
0x2f: {  	s30 =	simm.s32 $0x4E0;
	s31 =	spop (v2sf);
	(v2sf) =	vpush v0, $0xF  }
0x30: {  	[tilespmem:s30], [sflag:$0x1] =	stream.linear.gather [hbm4b:s31+s2], $0x20, $0x38;
	[tilespmem:$0x8400] =	vst v63  }
0x31: {  	s18 =	spop (v2sf)  }
0x32: {  	s17 =	simm.s32 $0x500;
	s20 =	spop (v2sf)  }
0x33: {  	[tilespmem:s17], [sflag:$0x1] =	stream.linear.gather [hbm4b:s18+s2], $0x20, $0x38;
	[tilespmem:$0x8400] =	vst v63  }
0x34: {  	s19 =	simm.s32 $0x520;
	s22 =	spop (v2sf)  }
0x35: {  	[tilespmem:s19], [sflag:$0x1] =	stream.linear.gather [hbm4b:s20+s2], $0x20, $0x38;
	[tilespmem:$0x8400] =	vst v63  }
0x36: {  	s21 =	simm.s32 $0x540;
	s24 =	spop (v2sf)  }
0x37: {  	[tilespmem:s21], [sflag:$0x1] =	stream.linear.gather [hbm4b:s22+s2], $0x20, $0x38;
	[tilespmem:$0x8400] =	vst v63  }
0x38: {  	s15 =	simm.s32 $0x800;
	s23 =	simm.s32 $0x560;
	s26 =	spop (v2sf)  }
0x39: {  	[tilespmem:s23], [sflag:$0x1] =	stream.linear.gather [hbm4b:s24+s2], $0x20, $0x38;
	[tilespmem:$0x8400] =	vst v63  }
0x3a: {  	s16 =	simm.s32 $0x10;
	s25 =	simm.s32 $0x580;
	s29 =	spop (v2sf)  }
0x3b: {  	[tilespmem:s25], [sflag:$0x1] =	stream.linear.gather [hbm4b:s26+s2], $0x20, $0x38;
	[tilespmem:$0x8400] =	vst v63  }
0x3c: {  	s28 =	simm.s32 $0x5A0;
	s30 =	simm.s32 $0x5C0;
	s31 =	spop (v2sf)  }
0x3d: {  	[tilespmem:s28], [sflag:$0x1] =	stream.linear.gather [hbm4b:s29+s2], $0x20, $0x38;
	[tilespmem:$0x8400] =	vst v63  }
0x3e: {  	s18 =	simm.s32 $0x5E0;
	s17 =	simm.s32 $0x0;
	s19 =	spop (v2sf)  }
0x3f: {  	[tilespmem:s30], [sflag:$0x1] =	stream.linear.gather [hbm4b:s31+s2], $0x20, $0x38;
	[tilespmem:$0x8400] =	vst v63  }
.LBB2_2:
0x40: {  	[tilespmem:s18], [sflag:$0x1] =	stream.linear.gather [hbm4b:s19+s17], $0x20, $0x38;
	[tilespmem:$0x8400] =	vst v63  }
0x41: {  	v0 =	vld [tilespmem:s16+$0x0];
	_ =	sdelay $0x4  }
0x42: {  	s21 =	rddreg [dreg:$0x3];
	v0 =	vshrl.u32 v0, $0x3  }
0x43: {  	v0 =	vadd.s32 s21, v0  }
0x44: {  	(v2sf) =	vpush v0, $0x0;
	_ =	sdelay $0x1  }
0x45: {  	(v2sf) =	vpush v0, $0x1;
	_ =	sdelay $0x1  }
0x46: {  	(v2sf) =	vpush v0, $0x2;
	_ =	sdelay $0x1  }
0x47: {  	(v2sf) =	vpush v0, $0x3;
	_ =	sdelay $0x1  }
0x48: {  	(v2sf) =	vpush v0, $0x4;
	_ =	sdelay $0x1  }
0x49: {  	(v2sf) =	vpush v0, $0x5;
	_ =	sdelay $0x1  }
0x4a: {  	(v2sf) =	vpush v0, $0x6  }
0x4b: {  	s20 =	smov.u32 s15  }
0x4c: {  	s18 =	sshra.s32 s20, $0x2;
	(v2sf) =	vpush v0, $0x7  }
0x4d: {  	s17 =	simm.s32 $0x0;
	s22 =	sadd.s32 $0x400, s18;
	s20 =	spop (v2sf)  }
0x4e: {  	(v2sf) =	vpush v0, $0x8;
	[tilespmem:s22], [sflag:$0x1] =	stream.linear.gather [hbm4b:s20+s17], $0x20, $0x38;
	[tilespmem:$0x8400] =	vst v63  }
0x4f: {  	s23 =	sadd.s32 $0x420, s18;
	s24 =	spop (v2sf)  }
0x50: {  	(v2sf) =	vpush v0, $0x9;
	[tilespmem:s23], [sflag:$0x1] =	stream.linear.gather [hbm4b:s24+s17], $0x20, $0x38;
	[tilespmem:$0x8400] =	vst v63  }
0x51: {  	s25 =	sadd.s32 $0x440, s18;
	s26 =	spop (v2sf)  }
0x52: {  	(v2sf) =	vpush v0, $0xA;
	[tilespmem:s25], [sflag:$0x1] =	stream.linear.gather [hbm4b:s26+s17], $0x20, $0x38;
	[tilespmem:$0x8400] =	vst v63  }
0x53: {  	s28 =	sadd.s32 $0x460, s18;
	s29 =	spop (v2sf)  }
0x54: {  	(v2sf) =	vpush v0, $0xB;
	[tilespmem:s28], [sflag:$0x1] =	stream.linear.gather [hbm4b:s29+s17], $0x20, $0x38;
	[tilespmem:$0x8400] =	vst v63  }
0x55: {  	s30 =	sadd.s32 $0x480, s18;
	s31 =	spop (v2sf)  }
0x56: {  	(v2sf) =	vpush v0, $0xC;
	[tilespmem:s30], [sflag:$0x1] =	stream.linear.gather [hbm4b:s31+s17], $0x20, $0x38;
	[tilespmem:$0x8400] =	vst v63  }
0x57: {  	s21 =	sadd.s32 $0x4A0, s18;
	s22 =	spop (v2sf)  }
0x58: {  	(v2sf) =	vpush v0, $0xD;
	[tilespmem:s21], [sflag:$0x1] =	stream.linear.gather [hbm4b:s22+s17], $0x20, $0x38;
	[tilespmem:$0x8400] =	vst v63  }
0x59: {  	s23 =	sadd.s32 $0x4C0, s18;
	s24 =	spop (v2sf);
	(v2sf) =	vpush v0, $0xE  }
0x5a: {  	[tilespmem:s23], [sflag:$0x1] =	stream.linear.gather [hbm4b:s24+s17], $0x20, $0x38;
	[tilespmem:$0x8400] =	vst v63  }
0x5b: {  	s25 =	sadd.s32 $0x4E0, s18;
	s26 =	spop (v2sf);
	(v2sf) =	vpush v0, $0xF  }
0x5c: {  	[tilespmem:s25], [sflag:$0x1] =	stream.linear.gather [hbm4b:s26+s17], $0x20, $0x38;
	[tilespmem:$0x8400] =	vst v63  }
0x5d: {  	s28 =	sadd.s32 $0x500, s18;
	s29 =	spop (v2sf)  }
0x5e: {  	[tilespmem:s28], [sflag:$0x1] =	stream.linear.gather [hbm4b:s29+s17], $0x20, $0x38;
	[tilespmem:$0x8400] =	vst v63  }
0x5f: {  	s30 =	sadd.s32 $0x520, s18;
	s31 =	spop (v2sf)  }
0x60: {  	[tilespmem:s30], [sflag:$0x1] =	stream.linear.gather [hbm4b:s31+s17], $0x20, $0x38;
	[tilespmem:$0x8400] =	vst v63  }
0x61: {  	s21 =	sadd.s32 $0x540, s18;
	s22 =	spop (v2sf)  }
0x62: {  	[tilespmem:s21], [sflag:$0x1] =	stream.linear.gather [hbm4b:s22+s17], $0x20, $0x38;
	[tilespmem:$0x8400] =	vst v63  }
0x63: {  	s23 =	sadd.s32 $0x560, s18;
	s24 =	spop (v2sf)  }
0x64: {  	[tilespmem:s23], [sflag:$0x1] =	stream.linear.gather [hbm4b:s24+s17], $0x20, $0x38;
	[tilespmem:$0x8400] =	vst v63  }
0x65: {  	p0 =	sne.s32 s15, $0xF800;
	s25 =	sadd.s32 $0x580, s18;
	s26 =	spop (v2sf)  }
0x66: {  	[tilespmem:s25], [sflag:$0x1] =	stream.linear.gather [hbm4b:s26+s17], $0x20, $0x38;
	[tilespmem:$0x8400] =	vst v63  }
.Ltmp0:
0x67: {  	s15 =	sadd.s32 $0x800, s15;
	s29 =	spop (v2sf);
	(pc) =	sbr.rel @p0 .LBB2_2-.Ltmp0, $4  }
0x68: {  	s16 =	sadd.s32 $0x10, s16;
	s28 =	sadd.s32 $0x5A0, s18;
	s31 =	spop (v2sf)  }
0x69: {  	[tilespmem:s28], [sflag:$0x1] =	stream.linear.gather [hbm4b:s29+s17], $0x20, $0x38;
	[tilespmem:$0x8400] =	vst v63  }
0x6a: {  	s30 =	sadd.s32 $0x5C0, s18;
	s18 =	sadd.s32 $0x5E0, s18;
	s19 =	spop (v2sf)  }
0x6b: {  	[tilespmem:s30], [sflag:$0x1] =	stream.linear.gather [hbm4b:s31+s17], $0x20, $0x38;
	[tilespmem:$0x8400] =	vst v63  }
0x6c: {  	[tilespmem:s18], [sflag:$0x1] =	stream.linear.gather [hbm4b:s19+s17], $0x20, $0x38;
	[tilespmem:$0x8400] =	vst v63  }
0x6d: {  	s15 =	simm.s32 $0x200  }
0x6e: {  	v0 =	vld [tilespmem:s15+$0x0];
	_ =	sdelay $0x4  }
0x6f: {  	s30 =	rddreg [dreg:$0x4];
	v0 =	vshrl.u32 v0, $0x3  }
0x70: {  	v0 =	vadd.s32 s30, v0  }
0x71: {  	(v2sf) =	vpush v0, $0x0;
	_ =	sdelay $0x1  }
0x72: {  	(v2sf) =	vpush v0, $0x1;
	_ =	sdelay $0x1  }
0x73: {  	(v2sf) =	vpush v0, $0x2;
	_ =	sdelay $0x1  }
0x74: {  	(v2sf) =	vpush v0, $0x3;
	_ =	sdelay $0x1  }
0x75: {  	(v2sf) =	vpush v0, $0x4;
	_ =	sdelay $0x1  }
0x76: {  	(v2sf) =	vpush v0, $0x5;
	_ =	sdelay $0x1  }
0x77: {  	(v2sf) =	vpush v0, $0x6;
	_ =	sdelay $0x1  }
0x78: {  	(v2sf) =	vpush v0, $0x7  }
0x79: {  	s31 =	simm.s32 $0x4400;
	s16 =	spop (v2sf)  }
0x7a: {  	(v2sf) =	vpush v0, $0x8;
	[tilespmem:s31], [sflag:$0x2] =	stream.linear.gather [hbm4b:s16+s2], $0x20, $0x38;
	[tilespmem:$0x8400] =	vst v63  }
0x7b: {  	s17 =	simm.s32 $0x4420;
	s18 =	spop (v2sf);
	(v2sf) =	vpush v0, $0x9  }
0x7c: {  	[tilespmem:s17], [sflag:$0x2] =	stream.linear.gather [hbm4b:s18+s2], $0x20, $0x38;
	[tilespmem:$0x8400] =	vst v63  }
0x7d: {  	s19 =	simm.s32 $0x4440;
	s20 =	spop (v2sf);
	(v2sf) =	vpush v0, $0xA  }
0x7e: {  	[tilespmem:s19], [sflag:$0x2] =	stream.linear.gather [hbm4b:s20+s2], $0x20, $0x38;
	[tilespmem:$0x8400] =	vst v63  }
0x7f: {  	s21 =	simm.s32 $0x4460;
	s22 =	spop (v2sf);
	(v2sf) =	vpush v0, $0xB  }
0x80: {  	[tilespmem:s21], [sflag:$0x2] =	stream.linear.gather [hbm4b:s22+s2], $0x20, $0x38;
	[tilespmem:$0x8400] =	vst v63  }
0x81: {  	s23 =	simm.s32 $0x4480;
	s24 =	spop (v2sf);
	(v2sf) =	vpush v0, $0xC  }
0x82: {  	[tilespmem:s23], [sflag:$0x2] =	stream.linear.gather [hbm4b:s24+s2], $0x20, $0x38;
	[tilespmem:$0x8400] =	vst v63  }
0x83: {  	s25 =	simm.s32 $0x44A0;
	s26 =	spop (v2sf);
	(v2sf) =	vpush v0, $0xD  }
0x84: {  	[tilespmem:s25], [sflag:$0x2] =	stream.linear.gather [hbm4b:s26+s2], $0x20, $0x38;
	[tilespmem:$0x8400] =	vst v63  }
0x85: {  	s28 =	simm.s32 $0x44C0;
	s29 =	spop (v2sf);
	(v2sf) =	vpush v0, $0xE  }
0x86: {  	[tilespmem:s28], [sflag:$0x2] =	stream.linear.gather [hbm4b:s29+s2], $0x20, $0x38;
	[tilespmem:$0x8400] =	vst v63  }
0x87: {  	s30 =	simm.s32 $0x44E0;
	s31 =	spop (v2sf);
	(v2sf) =	vpush v0, $0xF  }
0x88: {  	[tilespmem:s30], [sflag:$0x2] =	stream.linear.gather [hbm4b:s31+s2], $0x20, $0x38;
	[tilespmem:$0x8400] =	vst v63  }
0x89: {  	s18 =	spop (v2sf)  }
0x8a: {  	s17 =	simm.s32 $0x4500;
	s20 =	spop (v2sf)  }
0x8b: {  	[tilespmem:s17], [sflag:$0x2] =	stream.linear.gather [hbm4b:s18+s2], $0x20, $0x38;
	[tilespmem:$0x8400] =	vst v63  }
0x8c: {  	s19 =	simm.s32 $0x4520;
	s22 =	spop (v2sf)  }
0x8d: {  	[tilespmem:s19], [sflag:$0x2] =	stream.linear.gather [hbm4b:s20+s2], $0x20, $0x38;
	[tilespmem:$0x8400] =	vst v63  }
0x8e: {  	s21 =	simm.s32 $0x4540;
	s24 =	spop (v2sf)  }
0x8f: {  	[tilespmem:s21], [sflag:$0x2] =	stream.linear.gather [hbm4b:s22+s2], $0x20, $0x38;
	[tilespmem:$0x8400] =	vst v63  }
0x90: {  	s23 =	simm.s32 $0x4560;
	s26 =	spop (v2sf)  }
0x91: {  	[tilespmem:s23], [sflag:$0x2] =	stream.linear.gather [hbm4b:s24+s2], $0x20, $0x38;
	[tilespmem:$0x8400] =	vst v63  }
0x92: {  	s15 =	simm.s32 $0x800;
	s25 =	simm.s32 $0x4580;
	s29 =	spop (v2sf)  }
0x93: {  	[tilespmem:s25], [sflag:$0x2] =	stream.linear.gather [hbm4b:s26+s2], $0x20, $0x38;
	[tilespmem:$0x8400] =	vst v63  }
0x94: {  	s16 =	simm.s32 $0x210;
	s28 =	simm.s32 $0x45A0;
	s31 =	spop (v2sf)  }
0x95: {  	[tilespmem:s28], [sflag:$0x2] =	stream.linear.gather [hbm4b:s29+s2], $0x20, $0x38;
	[tilespmem:$0x8400] =	vst v63  }
0x96: {  	s30 =	simm.s32 $0x45C0;
	s17 =	simm.s32 $0x45E0;
	s18 =	spop (v2sf)  }
0x97: {  	[tilespmem:s30], [sflag:$0x2] =	stream.linear.gather [hbm4b:s31+s2], $0x20, $0x38;
	[tilespmem:$0x8400] =	vst v63  }
.LBB2_4:
0x98: {  	[tilespmem:s17], [sflag:$0x2] =	stream.linear.gather [hbm4b:s18+s2], $0x20, $0x38;
	[tilespmem:$0x8400] =	vst v63  }
0x99: {  	v0 =	vld [tilespmem:s16+$0x0];
	_ =	sdelay $0x4  }
0x9a: {  	s25 =	rddreg [dreg:$0x4];
	v0 =	vshrl.u32 v0, $0x3  }
0x9b: {  	v0 =	vadd.s32 s25, v0  }
0x9c: {  	(v2sf) =	vpush v0, $0x0;
	_ =	sdelay $0x1  }
0x9d: {  	(v2sf) =	vpush v0, $0x1;
	_ =	sdelay $0x1  }
0x9e: {  	(v2sf) =	vpush v0, $0x2;
	_ =	sdelay $0x1  }
0x9f: {  	(v2sf) =	vpush v0, $0x3;
	_ =	sdelay $0x1  }
0xa0: {  	(v2sf) =	vpush v0, $0x4;
	_ =	sdelay $0x1  }
0xa1: {  	(v2sf) =	vpush v0, $0x5;
	_ =	sdelay $0x1  }
0xa2: {  	(v2sf) =	vpush v0, $0x6  }
0xa3: {  	s24 =	smov.u32 s15  }
0xa4: {  	s17 =	sshra.s32 s24, $0x2;
	(v2sf) =	vpush v0, $0x7  }
0xa5: {  	s26 =	sadd.s32 $0x4400, s17;
	s19 =	spop (v2sf)  }
0xa6: {  	(v2sf) =	vpush v0, $0x8;
	[tilespmem:s26], [sflag:$0x2] =	stream.linear.gather [hbm4b:s19+s2], $0x20, $0x38;
	[tilespmem:$0x8400] =	vst v63  }
0xa7: {  	s28 =	sadd.s32 $0x4420, s17;
	s29 =	spop (v2sf)  }
0xa8: {  	(v2sf) =	vpush v0, $0x9;
	[tilespmem:s28], [sflag:$0x2] =	stream.linear.gather [hbm4b:s29+s2], $0x20, $0x38;
	[tilespmem:$0x8400] =	vst v63  }
0xa9: {  	s30 =	sadd.s32 $0x4440, s17;
	s31 =	spop (v2sf)  }
0xaa: {  	(v2sf) =	vpush v0, $0xA;
	[tilespmem:s30], [sflag:$0x2] =	stream.linear.gather [hbm4b:s31+s2], $0x20, $0x38;
	[tilespmem:$0x8400] =	vst v63  }
0xab: {  	s19 =	sadd.s32 $0x4460, s17;
	s20 =	spop (v2sf)  }
0xac: {  	(v2sf) =	vpush v0, $0xB;
	[tilespmem:s19], [sflag:$0x2] =	stream.linear.gather [hbm4b:s20+s2], $0x20, $0x38;
	[tilespmem:$0x8400] =	vst v63  }
0xad: {  	s21 =	sadd.s32 $0x4480, s17;
	s22 =	spop (v2sf)  }
0xae: {  	(v2sf) =	vpush v0, $0xC;
	[tilespmem:s21], [sflag:$0x2] =	stream.linear.gather [hbm4b:s22+s2], $0x20, $0x38;
	[tilespmem:$0x8400] =	vst v63  }
0xaf: {  	s23 =	sadd.s32 $0x44A0, s17;
	s24 =	spop (v2sf)  }
0xb0: {  	(v2sf) =	vpush v0, $0xD;
	[tilespmem:s23], [sflag:$0x2] =	stream.linear.gather [hbm4b:s24+s2], $0x20, $0x38;
	[tilespmem:$0x8400] =	vst v63  }
0xb1: {  	s25 =	sadd.s32 $0x44C0, s17;
	s26 =	spop (v2sf);
	(v2sf) =	vpush v0, $0xE  }
0xb2: {  	[tilespmem:s25], [sflag:$0x2] =	stream.linear.gather [hbm4b:s26+s2], $0x20, $0x38;
	[tilespmem:$0x8400] =	vst v63  }
0xb3: {  	s28 =	sadd.s32 $0x44E0, s17;
	s29 =	spop (v2sf);
	(v2sf) =	vpush v0, $0xF  }
0xb4: {  	[tilespmem:s28], [sflag:$0x2] =	stream.linear.gather [hbm4b:s29+s2], $0x20, $0x38;
	[tilespmem:$0x8400] =	vst v63  }
0xb5: {  	s30 =	sadd.s32 $0x4500, s17;
	s31 =	spop (v2sf)  }
0xb6: {  	[tilespmem:s30], [sflag:$0x2] =	stream.linear.gather [hbm4b:s31+s2], $0x20, $0x38;
	[tilespmem:$0x8400] =	vst v63  }
0xb7: {  	s19 =	sadd.s32 $0x4520, s17;
	s20 =	spop (v2sf)  }
0xb8: {  	[tilespmem:s19], [sflag:$0x2] =	stream.linear.gather [hbm4b:s20+s2], $0x20, $0x38;
	[tilespmem:$0x8400] =	vst v63  }
0xb9: {  	s21 =	sadd.s32 $0x4540, s17;
	s22 =	spop (v2sf)  }
0xba: {  	[tilespmem:s21], [sflag:$0x2] =	stream.linear.gather [hbm4b:s22+s2], $0x20, $0x38;
	[tilespmem:$0x8400] =	vst v63  }
0xbb: {  	s23 =	sadd.s32 $0x4560, s17;
	s24 =	spop (v2sf)  }
0xbc: {  	[tilespmem:s23], [sflag:$0x2] =	stream.linear.gather [hbm4b:s24+s2], $0x20, $0x38;
	[tilespmem:$0x8400] =	vst v63  }
0xbd: {  	p0 =	sne.s32 s15, $0xF800;
	s25 =	sadd.s32 $0x4580, s17;
	s26 =	spop (v2sf)  }
0xbe: {  	[tilespmem:s25], [sflag:$0x2] =	stream.linear.gather [hbm4b:s26+s2], $0x20, $0x38;
	[tilespmem:$0x8400] =	vst v63  }
.Ltmp1:
0xbf: {  	s15 =	sadd.s32 $0x800, s15;
	s29 =	spop (v2sf);
	(pc) =	sbr.rel @p0 .LBB2_4-.Ltmp1, $4  }
0xc0: {  	s16 =	sadd.s32 $0x10, s16;
	s28 =	sadd.s32 $0x45A0, s17;
	s31 =	spop (v2sf)  }
0xc1: {  	[tilespmem:s28], [sflag:$0x2] =	stream.linear.gather [hbm4b:s29+s2], $0x20, $0x38;
	[tilespmem:$0x8400] =	vst v63  }
0xc2: {  	s30 =	sadd.s32 $0x45C0, s17;
	s17 =	sadd.s32 $0x45E0, s17;
	s18 =	spop (v2sf)  }
0xc3: {  	[tilespmem:s30], [sflag:$0x2] =	stream.linear.gather [hbm4b:s31+s2], $0x20, $0x38;
	[tilespmem:$0x8400] =	vst v63  }
0xc4: {  	[tilespmem:s17], [sflag:$0x2] =	stream.linear.gather [hbm4b:s18+s2], $0x20, $0x38;
	[tilespmem:$0x8400] =	vst v63  }
0xc5: {  	_ =	swait.ge [sflag:s10], $0x4000  }
0xc6: {  	[sflag:s10] =	ssyncset.done $0x0  }
0xc7: {  	[sflag:s10] =	ssyncadd.s32 $0xFFFFC000  }
0xc8: {  	_ =	swait.ge [sflag:s11], $0x4000  }
0xc9: {  	[sflag:s11] =	ssyncset.done $0x0  }
0xca: {  	[sflag:s11] =	ssyncadd.s32 $0xFFFFC000  }
0xcb: {  	[hbm4b:s5+s2] =	stream.linear.scatter [tilespmem:s12], [sflag:$0x3], $0x4000, $0x38;
	[tilespmem:$0x8400] =	vst v63  }
0xcc: {  	s14 =	sadd.s32 $0x1, s14;
	_ =	swait.ge [sflag:s8], $0x4000  }
0xcd: {  	p0 =	sne.s32 s14, s7;
	[sflag:s8] =	ssyncset.done $0x0  }
.Ltmp2:
0xce: {  	[sflag:s8] =	ssyncadd.s32 $0xFFFFC000;
	(pc) =	sbr.rel @p0 .LBB2_1-.Ltmp2, $4  }
0xcf: {  	[hbm4b:s6+s2] =	stream.linear.scatter [tilespmem:s13], [sflag:$0x3], $0x4000, $0x38;
	[tilespmem:$0x8400] =	vst v63  }
0xd0: {  	_ =	swait.ge [sflag:s8], $0x4000  }
0xd1: {  	[sflag:s8] =	ssyncset.done $0x0  }
0xd2: {  	[sflag:s8] =	ssyncadd.s32 $0xFFFFC000  }
0xd3: {  	_ =	sfence.sel $0x180000  }
0xd4: {  	[bflag:$0x0] =	sbarrier.arrive $0xFFFF  }
0xd5: {  	p0 =	sne.s32 s1, $0x0;
	_ =	strace $0x90000047  }
0xd6: {  	s0 =	sadd.s32 @!p0 $0x100000, s0;
	[bflag:$0x2] =	sbarrier.arrive $0xFFFF  }
0xd7: {  	[sflag:s0] =	ssyncadd.tile.s32 @!p0 $0x1;
	_ =	shalt  }
.Lfunc_end2:
_tile_overlayer_lowered:
.L_overlay_start_2:
0xd8: {  	(tag) =	ssettag $0x2  }
0xd9: {  	s0 =	rddreg [dreg:$0x0];
	s2 =	stileid.u32  }
0xda: {  	s1 =	rddreg [dreg:$0x1];
	p0 =	sne.s32 s2, $0x0  }
0xdb: {  	s3 =	rddreg [dreg:$0x2];
	[bflag:$0x3] =	sbarrier.arrive $0xFFFF;
	s2 =	simm.s32 @!p0 $0x1C03  }
0xdc: {  	[timem:s3], [sflag:s2] =	dma.local @!p0 [hbm:s0], s1  }
0xdd: {  	s0 =	simm.s32 @!p0 $0x3  }
0xde: {  	_ =	swait.ge @!p0 [sflag:s0], s1  }
0xdf: {  	s1 =	ssub.s32 @!p0 $0x0, s1;
	[sflag:s0] =	ssyncset.done @!p0 $0x0  }
0xe0: {  	[sflag:s0] =	ssyncadd.s32 @!p0 s1  }
0xe1: {  	[bflag:$0x3] =	sbarrier.arrive $0xFFFF  }
0xe2: {  	_ =	shalt  }

</sc_bundles>
